<compile_context>
chip_gen: v7x
topology: tpu7x:2x2x1
jax: 0.10.2.dev20260603
libtpu: 0.0.44.dev20260713+nightly
codegen_flags: <defaults>
</compile_context>

<pallas_src>
import functools

import jax
import jax.numpy as jnp
from jax import lax
from jax.experimental import pallas as pl
from jax.experimental.pallas import tpu as pltpu
from jax.experimental.pallas import tpu_sc as plsc

HID = 128
EPS = 1e-12
PAD_IDX = 0
L = 16
NVEC = HID // L
NC, NS = 2, 16
NW = NC * NS
CHUNK = 128


def _rsqrt_vec(x):
    i = lax.bitcast_convert_type(x, jnp.int32)
    y = lax.bitcast_convert_type(jnp.int32(0x5F3759DF) - (i >> 1), jnp.float32)
    for _ in range(3):
        y = y * (1.5 - 0.5 * x * y * y)
    return y


def _make_kernel(B, S):
    TOK = B * S
    assert TOK % (NW * CHUNK) == 0
    TPW = TOK // NW
    NCHUNK = TPW // CHUNK
    assert TPW % S == 0

    mesh = plsc.VectorSubcoreMesh(core_axis_name="c", subcore_axis_name="s")

    @functools.partial(
        pl.kernel,
        out_type=jax.ShapeDtypeStruct((TOK, HID), jnp.float32),
        mesh=mesh,
        compiler_params=pltpu.CompilerParams(needs_layout_passes=False),
        scratch_types=[
            pltpu.VMEM((TPW,), jnp.int32),
            pltpu.VMEM((2, CHUNK, HID), jnp.float32),
            pltpu.VMEM((S, HID), jnp.float32),
            pltpu.VMEM((1, HID), jnp.float32),
            pltpu.VMEM((HID,), jnp.float32),
            pltpu.VMEM((HID,), jnp.float32),
            pltpu.SemaphoreType.DMA,
            pltpu.SemaphoreType.DMA,
            pltpu.SemaphoreType.DMA,
            pltpu.SemaphoreType.DMA,
        ],
    )
    def k(ids_hbm, word_hbm, pos_hbm, type_hbm, scale_hbm, bias_hbm, out_hbm,
          idx_v, rows_v, base_v, t_v, scale_v, bias_v,
          gsem0, gsem1, osem0, osem1):
        gsem = (gsem0, gsem1)
        osem = (osem0, osem1)
        wid = lax.axis_index("s") * NC + lax.axis_index("c")
        wbase = wid * TPW

        pltpu.sync_copy(ids_hbm.at[pl.ds(wbase, TPW)], idx_v)
        pltpu.sync_copy(pos_hbm.at[pl.ds(0, S)], base_v)
        pltpu.sync_copy(type_hbm.at[pl.ds(0, 1)], t_v)
        pltpu.sync_copy(scale_hbm, scale_v)
        pltpu.sync_copy(bias_hbm, bias_v)

        t_regs = [t_v[0, pl.ds(j * L, L)] for j in range(NVEC)]
        sc_regs = [scale_v[pl.ds(j * L, L)] for j in range(NVEC)]
        bi_regs = [bias_v[pl.ds(j * L, L)] for j in range(NVEC)]

        def add_type(s, _):
            for j in range(NVEC):
                base_v[s, pl.ds(j * L, L)] = base_v[s, pl.ds(j * L, L)] + t_regs[j]
            return 0
        lax.fori_loop(0, S, add_type, 0)

        inv_h = jnp.float32(1.0 / HID)

        def gather_start(c, slot):
            pltpu.async_copy(word_hbm.at[idx_v.at[pl.ds(c * CHUNK, CHUNK)]],
                             rows_v.at[slot], gsem[slot])

        def gather_wait(c, slot):
            pltpu.make_async_copy(word_hbm.at[idx_v.at[pl.ds(c * CHUNK, CHUNK)]],
                                  rows_v.at[slot], gsem[slot]).wait()

        def out_start(c, slot):
            pltpu.async_copy(rows_v.at[slot],
                             out_hbm.at[pl.ds(wbase + c * CHUNK, CHUNK)],
                             osem[slot])

        def out_wait(c, slot):
            pltpu.make_async_copy(rows_v.at[slot],
                                  out_hbm.at[pl.ds(wbase + c * CHUNK, CHUNK)],
                                  osem[slot]).wait()

        def compute(c, slot):
            rv = rows_v.at[slot]
            iv_ref = idx_v

            @plsc.parallel_loop(0, CHUNK, 1, unroll=1)
            def do_row(i):
                iv = jnp.full((L,), c * CHUNK + i, jnp.int32)
                idb = plsc.load_gather(iv_ref, [iv])
                maskv = jnp.where(idb == PAD_IDX, 0.0, 1.0).astype(jnp.float32)
                s = lax.rem(c * CHUNK + i, S)
                r = []
                sq = []
                for j in range(NVEC):
                    w = rv[i, pl.ds(j * L, L)]
                    rj = w * maskv + base_v[s, pl.ds(j * L, L)]
                    r.append(rj)
                    sq.append(rj * rj)

                def tree(vals):
                    while len(vals) > 1:
                        vals = [vals[p] + vals[p + 1] for p in range(0, len(vals), 2)]
                    return vals[0]

                tot = jnp.sum(tree(list(r)))
                tot2 = jnp.sum(tree(sq))
                m = tot * inv_h
                var = tot2 * inv_h - m * m
                a_s = _rsqrt_vec(var + EPS)
                a = jnp.full((L,), a_s, jnp.float32)
                b = jnp.full((L,), (-m) * a_s, jnp.float32)
                for j in range(NVEC):
                    o = (r[j] * a + b) * sc_regs[j] + bi_regs[j]
                    rv[i, pl.ds(j * L, L)] = o

        gather_start(0, 0)

        def do_pair(g, _):
            for b in range(2):
                c = g * 2 + b
                cur, nxt = b, 1 - b

                @pl.when(c + 1 < NCHUNK)
                def _prefetch():
                    @pl.when(c >= 1)
                    def _drain():
                        out_wait(c - 1, nxt)
                    gather_start(c + 1, nxt)

                gather_wait(c, cur)
                compute(c, cur)
                out_start(c, cur)
            return 0

        lax.fori_loop(0, NCHUNK // 2, do_pair, 0)
        out_wait(NCHUNK - 2, 0)
        out_wait(NCHUNK - 1, 1)

    return k


def kernel(input_ids, word_emb, pos_emb, type_emb, ln_scale, ln_bias):
    B, S = input_ids.shape
    ids = input_ids.reshape(-1).astype(jnp.int32)
    k = _make_kernel(B, S)
    out = k(ids, word_emb, pos_emb, type_emb, ln_scale, ln_bias)
    return out.reshape(B, S, HID)

# --- scband reference (transcript-rebuilt; emitter-appended) ---
"""Pipeline reference for scband-bert-embeddings-83915071030130 (READ-ONLY COPY).

The authoritative reference and input builder live on the scoring server;
editing this copy changes nothing except your own understanding.
"""

import jax, jax.numpy as jnp
import numpy as np

VOCAB = 100000
HID = 128
MAX_POS = 512
TYPE_VOCAB = 2
EPS = 1e-12
PAD_IDX = 0

def setup_inputs(seed: int = 0) -> dict:
    key = jax.random.key(seed)
    k1, k2, k3, k4 = jax.random.split(key, 4)
    input_ids = jax.random.randint(k1, (1024, 200), 0, VOCAB, dtype=jnp.int64)
    word_emb = jax.random.normal(k2, (VOCAB, HID), dtype=jnp.float32) * 0.02
    pos_emb = jax.random.normal(k3, (MAX_POS, HID), dtype=jnp.float32) * 0.02
    type_emb = jax.random.normal(k4, (TYPE_VOCAB, HID), dtype=jnp.float32) * 0.02
    ln_scale = jnp.ones((HID,), dtype=jnp.float32)
    ln_bias = jnp.zeros((HID,), dtype=jnp.float32)
    return {"input_ids": input_ids, "word_emb": word_emb, "pos_emb": pos_emb,
            "type_emb": type_emb, "ln_scale": ln_scale, "ln_bias": ln_bias}

def reference(input_ids, word_emb, pos_emb, type_emb, ln_scale, ln_bias):
    B, S = input_ids.shape
    past_key_values_length = 0
    position_ids = jnp.arange(MAX_POS, dtype=jnp.int32)[past_key_values_length:S + past_key_values_length]
    token_type_ids = jnp.zeros((B, S), dtype=jnp.int32)
    # word embedding lookup (gather)
    inputs_embeds = jnp.take(word_emb, input_ids, axis=0)
    # padding mask: zero out pad-token embeddings (gradient stop through mask)
    padding_mask = (input_ids != PAD_IDX).astype(inputs_embeds.dtype)[:, :, None]
    inputs_embeds = inputs_embeds * jax.lax.stop_gradient(padding_mask)
    # token type embeddings (all zeros -> row 0)
    token_type_embeddings = jnp.take(type_emb, token_type_ids, axis=0)
    embeddings = inputs_embeds + token_type_embeddings
    # absolute position embeddings
    embeddings = embeddings + jnp.take(pos_emb, position_ids, axis=0)[None, :, :]
    # LayerNorm
    mean = jnp.mean(embeddings, axis=-1, keepdims=True)
    var = jnp.mean(jnp.square(embeddings - mean), axis=-1, keepdims=True)
    normed = (embeddings - mean) / jnp.sqrt(var + EPS)
    out = normed * ln_scale + ln_bias
    # dropout deterministic (training=False) -> identity
    return out

if __name__ == "__main__":
    import jax
    _d = setup_inputs()
    print(jax.jit(kernel)(*tuple(_d.values())))

</pallas_src>

<mosaic_0001>
#map = affine_map<(d0, d1) -> (0)>
#map1 = affine_map<(d0, d1) -> (0, 0)>
module attributes {stable_mosaic.version = 14 : i64} {
  func.func @k(%arg0: i32, %arg1: i32, %arg2: memref<204800xi32, #tpu.memory_space<hbm>>, %arg3: memref<100000x128xf32, #tpu.memory_space<hbm>>, %arg4: memref<512x128xf32, #tpu.memory_space<hbm>>, %arg5: memref<2x128xf32, #tpu.memory_space<hbm>>, %arg6: memref<128xf32, #tpu.memory_space<hbm>>, %arg7: memref<128xf32, #tpu.memory_space<hbm>>, %arg8: memref<204800x128xf32, #tpu.memory_space<hbm>>, %arg9: memref<6400xi32, #tpu.memory_space<vmem>>, %arg10: memref<2x128x128xf32, #tpu.memory_space<vmem>>, %arg11: memref<200x128xf32, #tpu.memory_space<vmem>>, %arg12: memref<1x128xf32, #tpu.memory_space<vmem>>, %arg13: memref<128xf32, #tpu.memory_space<vmem>>, %arg14: memref<128xf32, #tpu.memory_space<vmem>>, %arg15: memref<!tpu.dma_semaphore, #tpu.memory_space<semaphore_mem>>, %arg16: memref<!tpu.dma_semaphore, #tpu.memory_space<semaphore_mem>>, %arg17: memref<!tpu.dma_semaphore, #tpu.memory_space<semaphore_mem>>, %arg18: memref<!tpu.dma_semaphore, #tpu.memory_space<semaphore_mem>>) attributes {dimension_semantics = [#tpu.dimension_semantics<core_parallel>, #tpu.dimension_semantics<subcore_parallel>], iteration_bounds = array<i64: 2, 16>, scalar_prefetch = 0 : i64, scratch_operands = 10 : i64, tpu.core_type = #tpu.core_type<sc_vector_subcore>, window_params = [{transform_indices = #map}, {transform_indices = #map1}, {transform_indices = #map1}, {transform_indices = #map1}, {transform_indices = #map}, {transform_indices = #map}, {transform_indices = #map1}]} {
    %mul3A = arith.constant 2 : i32
    %mul3A_0 = arith.muli %arg1, %mul3A : i32
    %add3A = arith.addi %mul3A_0, %arg0 : i32
    %mul3A_1 = arith.constant 6400 : i32
    %mul3A_2 = arith.muli %add3A, %mul3A_1 : i32
    "tpu.region"() ({
      %run_scoped3A = tpu.sem_alloc : memref<!tpu.dma_semaphore, #tpu.memory_space<semaphore_mem>>
      %dma_start3A_118 = tpu.memref_slice %arg2[%mul3A_2] : memref<204800xi32, #tpu.memory_space<hbm>> -> memref<6400xi32, #tpu.memory_space<hbm>>
      %dma_start3A_119 = tpu.memref_slice %arg2[%mul3A_2] : memref<204800xi32, #tpu.memory_space<hbm>> -> memref<6400xi32, #tpu.memory_space<hbm>>
      tpu.enqueue_dma source(%dma_start3A_119 : memref<6400xi32, #tpu.memory_space<hbm>>) target(%arg9 : memref<6400xi32, #tpu.memory_space<vmem>>) target_semaphore(%run_scoped3A : memref<!tpu.dma_semaphore, #tpu.memory_space<semaphore_mem>>)
      %dma_wait3A_120 = tpu.memref_slice %arg2[%mul3A_2] : memref<204800xi32, #tpu.memory_space<hbm>> -> memref<6400xi32, #tpu.memory_space<hbm>>
      %dma_wait3A_121 = tpu.memref_slice %arg2[%mul3A_2] : memref<204800xi32, #tpu.memory_space<hbm>> -> memref<6400xi32, #tpu.memory_space<hbm>>
      tpu.wait_dma2 semaphore(%run_scoped3A : memref<!tpu.dma_semaphore, #tpu.memory_space<semaphore_mem>>) src(%dma_wait3A_121 : memref<6400xi32, #tpu.memory_space<hbm>>) dst(%arg9 : memref<6400xi32, #tpu.memory_space<vmem>>)
      tpu.yield
    }) : () -> ()
    "tpu.region"() ({
      %run_scoped3A = tpu.sem_alloc : memref<!tpu.dma_semaphore, #tpu.memory_space<semaphore_mem>>
      %dma_start3A_118 = arith.constant 0 : i32
      %dma_start3A_119 = arith.constant 0 : i32
      %dma_start3A_120 = tpu.memref_slice %arg4[%dma_start3A_118, %dma_start3A_119] : memref<512x128xf32, #tpu.memory_space<hbm>> -> memref<200x128xf32, #tpu.memory_space<hbm>>
      %dma_start3A_121 = arith.constant 0 : i32
      %dma_start3A_122 = arith.constant 0 : i32
      %dma_start3A_123 = tpu.memref_slice %arg4[%dma_start3A_121, %dma_start3A_122] : memref<512x128xf32, #tpu.memory_space<hbm>> -> memref<200x128xf32, #tpu.memory_space<hbm>>
      tpu.enqueue_dma source(%dma_start3A_123 : memref<200x128xf32, #tpu.memory_space<hbm>>) target(%arg11 : memref<200x128xf32, #tpu.memory_space<vmem>>) target_semaphore(%run_scoped3A : memref<!tpu.dma_semaphore, #tpu.memory_space<semaphore_mem>>)
      %dma_wait3A_124 = arith.constant 0 : i32
      %dma_wait3A_125 = arith.constant 0 : i32
      %dma_wait3A_126 = tpu.memref_slice %arg4[%dma_wait3A_124, %dma_wait3A_125] : memref<512x128xf32, #tpu.memory_space<hbm>> -> memref<200x128xf32, #tpu.memory_space<hbm>>
      %dma_wait3A_127 = arith.constant 0 : i32
      %dma_wait3A_128 = arith.constant 0 : i32
      %dma_wait3A_129 = tpu.memref_slice %arg4[%dma_wait3A_127, %dma_wait3A_128] : memref<512x128xf32, #tpu.memory_space<hbm>> -> memref<200x128xf32, #tpu.memory_space<hbm>>
      tpu.wait_dma2 semaphore(%run_scoped3A : memref<!tpu.dma_semaphore, #tpu.memory_space<semaphore_mem>>) src(%dma_wait3A_129 : memref<200x128xf32, #tpu.memory_space<hbm>>) dst(%arg11 : memref<200x128xf32, #tpu.memory_space<vmem>>)
      tpu.yield
    }) : () -> ()
    "tpu.region"() ({
      %run_scoped3A = tpu.sem_alloc : memref<!tpu.dma_semaphore, #tpu.memory_space<semaphore_mem>>
      %dma_start3A_118 = arith.constant 0 : i32
      %dma_start3A_119 = arith.constant 0 : i32
      %dma_start3A_120 = tpu.memref_slice %arg5[%dma_start3A_118, %dma_start3A_119] : memref<2x128xf32, #tpu.memory_space<hbm>> -> memref<1x128xf32, #tpu.memory_space<hbm>>
      %dma_start3A_121 = arith.constant 0 : i32
      %dma_start3A_122 = arith.constant 0 : i32
      %dma_start3A_123 = tpu.memref_slice %arg5[%dma_start3A_121, %dma_start3A_122] : memref<2x128xf32, #tpu.memory_space<hbm>> -> memref<1x128xf32, #tpu.memory_space<hbm>>
      tpu.enqueue_dma source(%dma_start3A_123 : memref<1x128xf32, #tpu.memory_space<hbm>>) target(%arg12 : memref<1x128xf32, #tpu.memory_space<vmem>>) target_semaphore(%run_scoped3A : memref<!tpu.dma_semaphore, #tpu.memory_space<semaphore_mem>>)
      %dma_wait3A_124 = arith.constant 0 : i32
      %dma_wait3A_125 = arith.constant 0 : i32
      %dma_wait3A_126 = tpu.memref_slice %arg5[%dma_wait3A_124, %dma_wait3A_125] : memref<2x128xf32, #tpu.memory_space<hbm>> -> memref<1x128xf32, #tpu.memory_space<hbm>>
      %dma_wait3A_127 = arith.constant 0 : i32
      %dma_wait3A_128 = arith.constant 0 : i32
      %dma_wait3A_129 = tpu.memref_slice %arg5[%dma_wait3A_127, %dma_wait3A_128] : memref<2x128xf32, #tpu.memory_space<hbm>> -> memref<1x128xf32, #tpu.memory_space<hbm>>
      tpu.wait_dma2 semaphore(%run_scoped3A : memref<!tpu.dma_semaphore, #tpu.memory_space<semaphore_mem>>) src(%dma_wait3A_129 : memref<1x128xf32, #tpu.memory_space<hbm>>) dst(%arg12 : memref<1x128xf32, #tpu.memory_space<vmem>>)
      tpu.yield
    }) : () -> ()
    "tpu.region"() ({
      %run_scoped3A = tpu.sem_alloc : memref<!tpu.dma_semaphore, #tpu.memory_space<semaphore_mem>>
      tpu.enqueue_dma source(%arg6 : memref<128xf32, #tpu.memory_space<hbm>>) target(%arg13 : memref<128xf32, #tpu.memory_space<vmem>>) target_semaphore(%run_scoped3A : memref<!tpu.dma_semaphore, #tpu.memory_space<semaphore_mem>>)
      tpu.wait_dma2 semaphore(%run_scoped3A : memref<!tpu.dma_semaphore, #tpu.memory_space<semaphore_mem>>) src(%arg6 : memref<128xf32, #tpu.memory_space<hbm>>) dst(%arg13 : memref<128xf32, #tpu.memory_space<vmem>>)
      tpu.yield
    }) : () -> ()
    "tpu.region"() ({
      %run_scoped3A = tpu.sem_alloc : memref<!tpu.dma_semaphore, #tpu.memory_space<semaphore_mem>>
      tpu.enqueue_dma source(%arg7 : memref<128xf32, #tpu.memory_space<hbm>>) target(%arg14 : memref<128xf32, #tpu.memory_space<vmem>>) target_semaphore(%run_scoped3A : memref<!tpu.dma_semaphore, #tpu.memory_space<semaphore_mem>>)
      tpu.wait_dma2 semaphore(%run_scoped3A : memref<!tpu.dma_semaphore, #tpu.memory_space<semaphore_mem>>) src(%arg7 : memref<128xf32, #tpu.memory_space<hbm>>) dst(%arg14 : memref<128xf32, #tpu.memory_space<vmem>>)
      tpu.yield
    }) : () -> ()
    %get3A = arith.constant 0 : i32
    %get3A_3 = arith.index_cast %get3A : i32 to index
    %get3A_4 = arith.constant 0 : index
    %get3A_5 = tpu.vector_load %arg12[%get3A_3, %get3A_4] {strides = array<i32>} : memref<1x128xf32, #tpu.memory_space<vmem>>, vector<16xf32>,
    %get3A_6 = arith.constant 0 : i32
    %get3A_7 = arith.index_cast %get3A_6 : i32 to index
    %get3A_8 = arith.constant 16 : index
    %get3A_9 = tpu.vector_load %arg12[%get3A_7, %get3A_8] {strides = array<i32>} : memref<1x128xf32, #tpu.memory_space<vmem>>, vector<16xf32>,
    %get3A_10 = arith.constant 0 : i32
    %get3A_11 = arith.index_cast %get3A_10 : i32 to index
    %get3A_12 = arith.constant 32 : index
    %get3A_13 = tpu.vector_load %arg12[%get3A_11, %get3A_12] {strides = array<i32>} : memref<1x128xf32, #tpu.memory_space<vmem>>, vector<16xf32>,
    %get3A_14 = arith.constant 0 : i32
    %get3A_15 = arith.index_cast %get3A_14 : i32 to index
    %get3A_16 = arith.constant 48 : index
    %get3A_17 = tpu.vector_load %arg12[%get3A_15, %get3A_16] {strides = array<i32>} : memref<1x128xf32, #tpu.memory_space<vmem>>, vector<16xf32>,
    %get3A_18 = arith.constant 0 : i32
    %get3A_19 = arith.index_cast %get3A_18 : i32 to index
    %get3A_20 = arith.constant 64 : index
    %get3A_21 = tpu.vector_load %arg12[%get3A_19, %get3A_20] {strides = array<i32>} : memref<1x128xf32, #tpu.memory_space<vmem>>, vector<16xf32>,
    %get3A_22 = arith.constant 0 : i32
    %get3A_23 = arith.index_cast %get3A_22 : i32 to index
    %get3A_24 = arith.constant 80 : index
    %get3A_25 = tpu.vector_load %arg12[%get3A_23, %get3A_24] {strides = array<i32>} : memref<1x128xf32, #tpu.memory_space<vmem>>, vector<16xf32>,
    %get3A_26 = arith.constant 0 : i32
    %get3A_27 = arith.index_cast %get3A_26 : i32 to index
    %get3A_28 = arith.constant 96 : index
    %get3A_29 = tpu.vector_load %arg12[%get3A_27, %get3A_28] {strides = array<i32>} : memref<1x128xf32, #tpu.memory_space<vmem>>, vector<16xf32>,
    %get3A_30 = arith.constant 0 : i32
    %get3A_31 = arith.index_cast %get3A_30 : i32 to index
    %get3A_32 = arith.constant 112 : index
    %get3A_33 = tpu.vector_load %arg12[%get3A_31, %get3A_32] {strides = array<i32>} : memref<1x128xf32, #tpu.memory_space<vmem>>, vector<16xf32>,
    %get3A_34 = arith.constant 0 : index
    %get3A_35 = tpu.vector_load %arg13[%get3A_34] {strides = array<i32>} : memref<128xf32, #tpu.memory_space<vmem>>, vector<16xf32>,
    %get3A_36 = arith.constant 16 : index
    %get3A_37 = tpu.vector_load %arg13[%get3A_36] {strides = array<i32>} : memref<128xf32, #tpu.memory_space<vmem>>, vector<16xf32>,
    %get3A_38 = arith.constant 32 : index
    %get3A_39 = tpu.vector_load %arg13[%get3A_38] {strides = array<i32>} : memref<128xf32, #tpu.memory_space<vmem>>, vector<16xf32>,
    %get3A_40 = arith.constant 48 : index
    %get3A_41 = tpu.vector_load %arg13[%get3A_40] {strides = array<i32>} : memref<128xf32, #tpu.memory_space<vmem>>, vector<16xf32>,
    %get3A_42 = arith.constant 64 : index
    %get3A_43 = tpu.vector_load %arg13[%get3A_42] {strides = array<i32>} : memref<128xf32, #tpu.memory_space<vmem>>, vector<16xf32>,
    %get3A_44 = arith.constant 80 : index
    %get3A_45 = tpu.vector_load %arg13[%get3A_44] {strides = array<i32>} : memref<128xf32, #tpu.memory_space<vmem>>, vector<16xf32>,
    %get3A_46 = arith.constant 96 : index
    %get3A_47 = tpu.vector_load %arg13[%get3A_46] {strides = array<i32>} : memref<128xf32, #tpu.memory_space<vmem>>, vector<16xf32>,
    %get3A_48 = arith.constant 112 : index
    %get3A_49 = tpu.vector_load %arg13[%get3A_48] {strides = array<i32>} : memref<128xf32, #tpu.memory_space<vmem>>, vector<16xf32>,
    %get3A_50 = arith.constant 0 : index
    %get3A_51 = tpu.vector_load %arg14[%get3A_50] {strides = array<i32>} : memref<128xf32, #tpu.memory_space<vmem>>, vector<16xf32>,
    %get3A_52 = arith.constant 16 : index
    %get3A_53 = tpu.vector_load %arg14[%get3A_52] {strides = array<i32>} : memref<128xf32, #tpu.memory_space<vmem>>, vector<16xf32>,
    %get3A_54 = arith.constant 32 : index
    %get3A_55 = tpu.vector_load %arg14[%get3A_54] {strides = array<i32>} : memref<128xf32, #tpu.memory_space<vmem>>, vector<16xf32>,
    %get3A_56 = arith.constant 48 : index
    %get3A_57 = tpu.vector_load %arg14[%get3A_56] {strides = array<i32>} : memref<128xf32, #tpu.memory_space<vmem>>, vector<16xf32>,
    %get3A_58 = arith.constant 64 : index
    %get3A_59 = tpu.vector_load %arg14[%get3A_58] {strides = array<i32>} : memref<128xf32, #tpu.memory_space<vmem>>, vector<16xf32>,
    %get3A_60 = arith.constant 80 : index
    %get3A_61 = tpu.vector_load %arg14[%get3A_60] {strides = array<i32>} : memref<128xf32, #tpu.memory_space<vmem>>, vector<16xf32>,
    %get3A_62 = arith.constant 96 : index
    %get3A_63 = tpu.vector_load %arg14[%get3A_62] {strides = array<i32>} : memref<128xf32, #tpu.memory_space<vmem>>, vector<16xf32>,
    %get3A_64 = arith.constant 112 : index
    %get3A_65 = tpu.vector_load %arg14[%get3A_64] {strides = array<i32>} : memref<128xf32, #tpu.memory_space<vmem>>, vector<16xf32>,
    %scan3A = arith.constant 0 : i32
    %scan3A_66 = arith.constant 0 : i32
    %scan3A_67 = arith.constant 200 : i32
    %scan3A_68 = arith.addi %scan3A_66, %scan3A_67 : i32
    %scan3A_69 = arith.constant 1 : i32
    %scan3A_70 = scf.for %scan3A_118 = %scan3A_66 to %scan3A_68 step %scan3A_69 iter_args(%scan3A_119 = %scan3A) -> (i32)  : i32 {
      %get3A_120 = arith.index_cast %scan3A_118 : i32 to index
      %get3A_121 = arith.constant 0 : index
      %get3A_122 = tpu.vector_load %arg11[%get3A_120, %get3A_121] {strides = array<i32>} : memref<200x128xf32, #tpu.memory_space<vmem>>, vector<16xf32>,
      %add3A_123 = arith.addf %get3A_122, %get3A_5 : vector<16xf32>
      %swap3A = arith.index_cast %scan3A_118 : i32 to index
      %swap3A_124 = arith.constant 0 : index
      %swap3A_125 = tpu.vector_load %arg11[%swap3A, %swap3A_124] {strides = array<i32>} : memref<200x128xf32, #tpu.memory_space<vmem>>, vector<16xf32>,
      tpu.vector_store %arg11[%swap3A, %swap3A_124], %add3A_123 {strides = array<i32>} : memref<200x128xf32, #tpu.memory_space<vmem>>, vector<16xf32>,
      %get3A_126 = arith.index_cast %scan3A_118 : i32 to index
      %get3A_127 = arith.constant 16 : index
      %get3A_128 = tpu.vector_load %arg11[%get3A_126, %get3A_127] {strides = array<i32>} : memref<200x128xf32, #tpu.memory_space<vmem>>, vector<16xf32>,
      %add3A_129 = arith.addf %get3A_128, %get3A_9 : vector<16xf32>
      %swap3A_130 = arith.index_cast %scan3A_118 : i32 to index
      %swap3A_131 = arith.constant 16 : index
      %swap3A_132 = tpu.vector_load %arg11[%swap3A_130, %swap3A_131] {strides = array<i32>} : memref<200x128xf32, #tpu.memory_space<vmem>>, vector<16xf32>,
      tpu.vector_store %arg11[%swap3A_130, %swap3A_131], %add3A_129 {strides = array<i32>} : memref<200x128xf32, #tpu.memory_space<vmem>>, vector<16xf32>,
      %get3A_133 = arith.index_cast %scan3A_118 : i32 to index
      %get3A_134 = arith.constant 32 : index
      %get3A_135 = tpu.vector_load %arg11[%get3A_133, %get3A_134] {strides = array<i32>} : memref<200x128xf32, #tpu.memory_space<vmem>>, vector<16xf32>,
      %add3A_136 = arith.addf %get3A_135, %get3A_13 : vector<16xf32>
      %swap3A_137 = arith.index_cast %scan3A_118 : i32 to index
      %swap3A_138 = arith.constant 32 : index
      %swap3A_139 = tpu.vector_load %arg11[%swap3A_137, %swap3A_138] {strides = array<i32>} : memref<200x128xf32, #tpu.memory_space<vmem>>, vector<16xf32>,
      tpu.vector_store %arg11[%swap3A_137, %swap3A_138], %add3A_136 {strides = array<i32>} : memref<200x128xf32, #tpu.memory_space<vmem>>, vector<16xf32>,
      %get3A_140 = arith.index_cast %scan3A_118 : i32 to index
      %get3A_141 = arith.constant 48 : index
      %get3A_142 = tpu.vector_load %arg11[%get3A_140, %get3A_141] {strides = array<i32>} : memref<200x128xf32, #tpu.memory_space<vmem>>, vector<16xf32>,
      %add3A_143 = arith.addf %get3A_142, %get3A_17 : vector<16xf32>
      %swap3A_144 = arith.index_cast %scan3A_118 : i32 to index
      %swap3A_145 = arith.constant 48 : index
      %swap3A_146 = tpu.vector_load %arg11[%swap3A_144, %swap3A_145] {strides = array<i32>} : memref<200x128xf32, #tpu.memory_space<vmem>>, vector<16xf32>,
      tpu.vector_store %arg11[%swap3A_144, %swap3A_145], %add3A_143 {strides = array<i32>} : memref<200x128xf32, #tpu.memory_space<vmem>>, vector<16xf32>,
      %get3A_147 = arith.index_cast %scan3A_118 : i32 to index
      %get3A_148 = arith.constant 64 : index
      %get3A_149 = tpu.vector_load %arg11[%get3A_147, %get3A_148] {strides = array<i32>} : memref<200x128xf32, #tpu.memory_space<vmem>>, vector<16xf32>,
      %add3A_150 = arith.addf %get3A_149, %get3A_21 : vector<16xf32>
      %swap3A_151 = arith.index_cast %scan3A_118 : i32 to index
      %swap3A_152 = arith.constant 64 : index
      %swap3A_153 = tpu.vector_load %arg11[%swap3A_151, %swap3A_152] {strides = array<i32>} : memref<200x128xf32, #tpu.memory_space<vmem>>, vector<16xf32>,
      tpu.vector_store %arg11[%swap3A_151, %swap3A_152], %add3A_150 {strides = array<i32>} : memref<200x128xf32, #tpu.memory_space<vmem>>, vector<16xf32>,
      %get3A_154 = arith.index_cast %scan3A_118 : i32 to index
      %get3A_155 = arith.constant 80 : index
      %get3A_156 = tpu.vector_load %arg11[%get3A_154, %get3A_155] {strides = array<i32>} : memref<200x128xf32, #tpu.memory_space<vmem>>, vector<16xf32>,
      %add3A_157 = arith.addf %get3A_156, %get3A_25 : vector<16xf32>
      %swap3A_158 = arith.index_cast %scan3A_118 : i32 to index
      %swap3A_159 = arith.constant 80 : index
      %swap3A_160 = tpu.vector_load %arg11[%swap3A_158, %swap3A_159] {strides = array<i32>} : memref<200x128xf32, #tpu.memory_space<vmem>>, vector<16xf32>,
      tpu.vector_store %arg11[%swap3A_158, %swap3A_159], %add3A_157 {strides = array<i32>} : memref<200x128xf32, #tpu.memory_space<vmem>>, vector<16xf32>,
      %get3A_161 = arith.index_cast %scan3A_118 : i32 to index
      %get3A_162 = arith.constant 96 : index
      %get3A_163 = tpu.vector_load %arg11[%get3A_161, %get3A_162] {strides = array<i32>} : memref<200x128xf32, #tpu.memory_space<vmem>>, vector<16xf32>,
      %add3A_164 = arith.addf %get3A_163, %get3A_29 : vector<16xf32>
      %swap3A_165 = arith.index_cast %scan3A_118 : i32 to index
      %swap3A_166 = arith.constant 96 : index
      %swap3A_167 = tpu.vector_load %arg11[%swap3A_165, %swap3A_166] {strides = array<i32>} : memref<200x128xf32, #tpu.memory_space<vmem>>, vector<16xf32>,
      tpu.vector_store %arg11[%swap3A_165, %swap3A_166], %add3A_164 {strides = array<i32>} : memref<200x128xf32, #tpu.memory_space<vmem>>, vector<16xf32>,
      %get3A_168 = arith.index_cast %scan3A_118 : i32 to index
      %get3A_169 = arith.constant 112 : index
      %get3A_170 = tpu.vector_load %arg11[%get3A_168, %get3A_169] {strides = array<i32>} : memref<200x128xf32, #tpu.memory_space<vmem>>, vector<16xf32>,
      %add3A_171 = arith.addf %get3A_170, %get3A_33 : vector<16xf32>
      %swap3A_172 = arith.index_cast %scan3A_118 : i32 to index
      %swap3A_173 = arith.constant 112 : index
      %swap3A_174 = tpu.vector_load %arg11[%swap3A_172, %swap3A_173] {strides = array<i32>} : memref<200x128xf32, #tpu.memory_space<vmem>>, vector<16xf32>,
      tpu.vector_store %arg11[%swap3A_172, %swap3A_173], %add3A_171 {strides = array<i32>} : memref<200x128xf32, #tpu.memory_space<vmem>>, vector<16xf32>,
      %scan3A_175 = arith.constant 0 : i32
      scf.yield %scan3A_175 : i32
    }
    %scan3A_71 = arith.constant 200 : i32
    %dma_start3A = arith.constant 0 : i32
    %dma_start3A_72 = arith.constant 0 : i32
    %dma_start3A_73 = arith.constant 0 : i32
    %dma_start3A_74 = tpu.memref_slice %arg10[%dma_start3A, %dma_start3A_72, %dma_start3A_73] : memref<2x128x128xf32, #tpu.memory_space<vmem>> -> memref<1x128x128xf32, #tpu.memory_space<vmem>>
    %dma_start3A_75 = tpu.memref_squeeze %dma_start3A_74 : memref<1x128x128xf32, #tpu.memory_space<vmem>> -> memref<128x128xf32, #tpu.memory_space<vmem>>
    %dma_start3A_76 = arith.constant 0 : i32
    %dma_start3A_77 = tpu.memref_slice %arg9[%dma_start3A_76] : memref<6400xi32, #tpu.memory_space<vmem>> -> memref<128xi32, #tpu.memory_space<vmem>>
    %dma_start3A_78 = arith.constant 0 : i32
    %dma_start3A_79 = arith.constant 0 : i32
    %dma_start3A_80 = tpu.memref_slice %arg3[%dma_start3A_78, %dma_start3A_79] : memref<100000x128xf32, #tpu.memory_space<hbm>> -> memref<100000x128xf32, #tpu.memory_space<hbm>>
    tpu.enqueue_indirect_dma source(%dma_start3A_80 : memref<100000x128xf32, #tpu.memory_space<hbm>>) target(%dma_start3A_75 : memref<128x128xf32, #tpu.memory_space<vmem>>) offsets(%dma_start3A_77 : memref<128xi32, #tpu.memory_space<vmem>>) semaphore(%arg15 : memref<!tpu.dma_semaphore, #tpu.memory_space<semaphore_mem>>)
    %scan3A_81 = arith.constant 7.812500e-03 : f32
    %scan3A_82 = arith.constant 0 : i32
    %scan3A_83 = arith.constant 0 : i32
    %scan3A_84 = arith.constant 25 : i32
    %scan3A_85 = arith.addi %scan3A_83, %scan3A_84 : i32
    %scan3A_86 = arith.constant 1 : i32
    %scan3A_87 = scf.for %scan3A_118 = %scan3A_83 to %scan3A_85 step %scan3A_86 iter_args(%scan3A_119 = %scan3A_82) -> (i32)  : i32 {
      %mul3A_120 = arith.constant 2 : i32
      %mul3A_121 = arith.muli %scan3A_118, %mul3A_120 : i32
      %add3A_122 = arith.constant 0 : i32
      %add3A_123 = arith.addi %mul3A_121, %add3A_122 : i32
      %add3A_124 = arith.constant 1 : i32
      %add3A_125 = arith.addi %add3A_123, %add3A_124 : i32
      %lt3A = arith.constant 50 : i32
      %lt3A_126 = arith.cmpi slt, %add3A_125, %lt3A : i32
      %convert_element_type3A = arith.extui %lt3A_126 : i1 to i32
      %cond3A = arith.constant 0 : i32
      %cond3A_127 = arith.cmpi ne, %convert_element_type3A, %cond3A : i32
      scf.if %cond3A_127 {
        %ge3A = arith.constant 1 : i32
        %ge3A_201 = arith.cmpi sge, %add3A_123, %ge3A : i32
        %convert_element_type3A_202 = arith.extui %ge3A_201 : i1 to i32
        %cond3A_203 = arith.constant 0 : i32
        %cond3A_204 = arith.cmpi ne, %convert_element_type3A_202, %cond3A_203 : i32
        scf.if %cond3A_204 {
          %sub3A = arith.constant 1 : i32
          %sub3A_218 = arith.subi %add3A_123, %sub3A : i32
          %mul3A_219 = arith.constant 128 : i32
          %mul3A_220 = arith.muli %sub3A_218, %mul3A_219 : i32
          %add3A_221 = arith.addi %mul3A_2, %mul3A_220 : i32
          %dma_wait3A_222 = arith.constant 1 : i32
          %dma_wait3A_223 = arith.constant 0 : i32
          %dma_wait3A_224 = arith.constant 0 : i32
          %dma_wait3A_225 = tpu.memref_slice %arg10[%dma_wait3A_222, %dma_wait3A_223, %dma_wait3A_224] : memref<2x128x128xf32, #tpu.memory_space<vmem>> -> memref<1x128x128xf32, #tpu.memory_space<vmem>>
          %dma_wait3A_226 = tpu.memref_squeeze %dma_wait3A_225 : memref<1x128x128xf32, #tpu.memory_space<vmem>> -> memref<128x128xf32, #tpu.memory_space<vmem>>
          %dma_wait3A_227 = arith.constant 0 : i32
          %dma_wait3A_228 = tpu.memref_slice %arg8[%add3A_221, %dma_wait3A_227] : memref<204800x128xf32, #tpu.memory_space<hbm>> -> memref<128x128xf32, #tpu.memory_space<hbm>>
          %dma_wait3A_229 = arith.constant 0 : i32
          %dma_wait3A_230 = tpu.memref_slice %arg8[%add3A_221, %dma_wait3A_229] : memref<204800x128xf32, #tpu.memory_space<hbm>> -> memref<128x128xf32, #tpu.memory_space<hbm>>
          %dma_wait3A_231 = arith.constant 0 : i32
          %dma_wait3A_232 = arith.constant 0 : i32
          %dma_wait3A_233 = tpu.memref_slice %arg10[%dma_wait3A_222, %dma_wait3A_231, %dma_wait3A_232] : memref<2x128x128xf32, #tpu.memory_space<vmem>> -> memref<1x128x128xf32, #tpu.memory_space<vmem>>
          %dma_wait3A_234 = tpu.memref_squeeze %dma_wait3A_233 : memref<1x128x128xf32, #tpu.memory_space<vmem>> -> memref<128x128xf32, #tpu.memory_space<vmem>>
          tpu.wait_dma2 semaphore(%arg18 : memref<!tpu.dma_semaphore, #tpu.memory_space<semaphore_mem>>) src(%dma_wait3A_234 : memref<128x128xf32, #tpu.memory_space<vmem>>) dst(%dma_wait3A_230 : memref<128x128xf32, #tpu.memory_space<hbm>>)
        } else {
        }
        %add3A_205 = arith.constant 1 : i32
        %add3A_206 = arith.addi %add3A_123, %add3A_205 : i32
        %mul3A_207 = arith.constant 128 : i32
        %mul3A_208 = arith.muli %add3A_206, %mul3A_207 : i32
        %dma_start3A_209 = arith.constant 1 : i32
        %dma_start3A_210 = arith.constant 0 : i32
        %dma_start3A_211 = arith.constant 0 : i32
        %dma_start3A_212 = tpu.memref_slice %arg10[%dma_start3A_209, %dma_start3A_210, %dma_start3A_211] : memref<2x128x128xf32, #tpu.memory_space<vmem>> -> memref<1x128x128xf32, #tpu.memory_space<vmem>>
        %dma_start3A_213 = tpu.memref_squeeze %dma_start3A_212 : memref<1x128x128xf32, #tpu.memory_space<vmem>> -> memref<128x128xf32, #tpu.memory_space<vmem>>
        %dma_start3A_214 = tpu.memref_slice %arg9[%mul3A_208] : memref<6400xi32, #tpu.memory_space<vmem>> -> memref<128xi32, #tpu.memory_space<vmem>>
        %dma_start3A_215 = arith.constant 0 : i32
        %dma_start3A_216 = arith.constant 0 : i32
        %dma_start3A_217 = tpu.memref_slice %arg3[%dma_start3A_215, %dma_start3A_216] : memref<100000x128xf32, #tpu.memory_space<hbm>> -> memref<100000x128xf32, #tpu.memory_space<hbm>>
        tpu.enqueue_indirect_dma source(%dma_start3A_217 : memref<100000x128xf32, #tpu.memory_space<hbm>>) target(%dma_start3A_213 : memref<128x128xf32, #tpu.memory_space<vmem>>) offsets(%dma_start3A_214 : memref<128xi32, #tpu.memory_space<vmem>>) semaphore(%arg16 : memref<!tpu.dma_semaphore, #tpu.memory_space<semaphore_mem>>)
      } else {
      }
      %mul3A_128 = arith.constant 128 : i32
      %mul3A_129 = arith.muli %add3A_123, %mul3A_128 : i32
      %dma_wait3A_130 = arith.constant 0 : i32
      %dma_wait3A_131 = arith.constant 0 : i32
      %dma_wait3A_132 = arith.constant 0 : i32
      %dma_wait3A_133 = tpu.memref_slice %arg10[%dma_wait3A_130, %dma_wait3A_131, %dma_wait3A_132] : memref<2x128x128xf32, #tpu.memory_space<vmem>> -> memref<1x128x128xf32, #tpu.memory_space<vmem>>
      %dma_wait3A_134 = tpu.memref_squeeze %dma_wait3A_133 : memref<1x128x128xf32, #tpu.memory_space<vmem>> -> memref<128x128xf32, #tpu.memory_space<vmem>>
      %dma_wait3A_135 = tpu.memref_slice %arg9[%mul3A_129] : memref<6400xi32, #tpu.memory_space<vmem>> -> memref<128xi32, #tpu.memory_space<vmem>>
      %dma_wait3A_136 = arith.constant 0 : i32
      %dma_wait3A_137 = arith.constant 0 : i32
      %dma_wait3A_138 = tpu.memref_slice %arg3[%dma_wait3A_136, %dma_wait3A_137] : memref<100000x128xf32, #tpu.memory_space<hbm>> -> memref<100000x128xf32, #tpu.memory_space<hbm>>
      tpu.wait_indirect_dma semaphore(%arg15 : memref<!tpu.dma_semaphore, #tpu.memory_space<semaphore_mem>>) src(%dma_wait3A_138 : memref<100000x128xf32, #tpu.memory_space<hbm>>) dst(%dma_wait3A_134 : memref<128x128xf32, #tpu.memory_space<vmem>>)
      %parallel_loop3A = arith.constant 0 : i32
      %parallel_loop3A_139 = arith.constant 128 : i32
      %parallel_loop3A_140 = arith.constant 1 : i32
      %parallel_loop3A_141 = arith.constant 0 : i32
      scf.for %parallel_loop3A_201 = %parallel_loop3A to %parallel_loop3A_139 step %parallel_loop3A_140  : i32 {
        %parallel_loop3A_202 = arith.constant 128 : i32
        %parallel_loop3A_203 = arith.muli %add3A_123, %parallel_loop3A_202 : i32
        %parallel_loop3A_204 = arith.addi %parallel_loop3A_203, %parallel_loop3A_201 : i32
        %parallel_loop3A_205 = vector.broadcast %parallel_loop3A_204 : i32 to vector<16xi32>
        %parallel_loop3A_206 = tpu.vector_load_idx %arg9[%parallel_loop3A_205] : memref<6400xi32, #tpu.memory_space<vmem>>[vector<16xi32>], vector<16xi32>,
        %parallel_loop3A_207 = arith.constant 0 : i32
        %parallel_loop3A_208 = vector.broadcast %parallel_loop3A_207 : i32 to vector<16xi32>
        %parallel_loop3A_209 = arith.cmpi eq, %parallel_loop3A_206, %parallel_loop3A_208 : vector<16xi32>
        %parallel_loop3A_210 = arith.constant 0.000000e+00 : f32
        %parallel_loop3A_211 = arith.constant 1.000000e+00 : f32
        %parallel_loop3A_212 = vector.broadcast %parallel_loop3A_210 : f32 to vector<16xf32>
        %parallel_loop3A_213 = vector.broadcast %parallel_loop3A_211 : f32 to vector<16xf32>
        %parallel_loop3A_214 = arith.select %parallel_loop3A_209, %parallel_loop3A_212, %parallel_loop3A_213 : vector<16xi1>, vector<16xf32>
        %parallel_loop3A_215 = arith.constant 128 : i32
        %parallel_loop3A_216 = arith.muli %add3A_123, %parallel_loop3A_215 : i32
        %parallel_loop3A_217 = arith.addi %parallel_loop3A_216, %parallel_loop3A_201 : i32
        %parallel_loop3A_218 = arith.constant 200 : i32
        %parallel_loop3A_219 = arith.remsi %parallel_loop3A_217, %parallel_loop3A_218 : i32
        %parallel_loop3A_220 = arith.constant 0 : i32
        %parallel_loop3A_221 = arith.constant 0 : i32
        %parallel_loop3A_222 = tpu.memref_slice %arg10[%parallel_loop3A_141, %parallel_loop3A_220, %parallel_loop3A_221] : memref<2x128x128xf32, #tpu.memory_space<vmem>> -> memref<1x128x128xf32, #tpu.memory_space<vmem>>
        %parallel_loop3A_223 = tpu.memref_squeeze %parallel_loop3A_222 : memref<1x128x128xf32, #tpu.memory_space<vmem>> -> memref<128x128xf32, #tpu.memory_space<vmem>>
        %parallel_loop3A_224 = arith.index_cast %parallel_loop3A_201 : i32 to index
        %parallel_loop3A_225 = arith.constant 0 : index
        %parallel_loop3A_226 = tpu.vector_load %parallel_loop3A_223[%parallel_loop3A_224, %parallel_loop3A_225] {strides = array<i32>} : memref<128x128xf32, #tpu.memory_space<vmem>>, vector<16xf32>,
        %parallel_loop3A_227 = arith.mulf %parallel_loop3A_226, %parallel_loop3A_214 : vector<16xf32>
        %parallel_loop3A_228 = arith.index_cast %parallel_loop3A_219 : i32 to index
        %parallel_loop3A_229 = arith.constant 0 : index
        %parallel_loop3A_230 = tpu.vector_load %arg11[%parallel_loop3A_228, %parallel_loop3A_229] {strides = array<i32>} : memref<200x128xf32, #tpu.memory_space<vmem>>, vector<16xf32>,
        %parallel_loop3A_231 = arith.addf %parallel_loop3A_227, %parallel_loop3A_230 : vector<16xf32>
        %parallel_loop3A_232 = arith.mulf %parallel_loop3A_231, %parallel_loop3A_231 : vector<16xf32>
        %parallel_loop3A_233 = arith.constant 0 : i32
        %parallel_loop3A_234 = arith.constant 0 : i32
        %parallel_loop3A_235 = tpu.memref_slice %arg10[%parallel_loop3A_141, %parallel_loop3A_233, %parallel_loop3A_234] : memref<2x128x128xf32, #tpu.memory_space<vmem>> -> memref<1x128x128xf32, #tpu.memory_space<vmem>>
        %parallel_loop3A_236 = tpu.memref_squeeze %parallel_loop3A_235 : memref<1x128x128xf32, #tpu.memory_space<vmem>> -> memref<128x128xf32, #tpu.memory_space<vmem>>
        %parallel_loop3A_237 = arith.index_cast %parallel_loop3A_201 : i32 to index
        %parallel_loop3A_238 = arith.constant 16 : index
        %parallel_loop3A_239 = tpu.vector_load %parallel_loop3A_236[%parallel_loop3A_237, %parallel_loop3A_238] {strides = array<i32>} : memref<128x128xf32, #tpu.memory_space<vmem>>, vector<16xf32>,
        %parallel_loop3A_240 = arith.mulf %parallel_loop3A_239, %parallel_loop3A_214 : vector<16xf32>
        %parallel_loop3A_241 = arith.index_cast %parallel_loop3A_219 : i32 to index
        %parallel_loop3A_242 = arith.constant 16 : index
        %parallel_loop3A_243 = tpu.vector_load %arg11[%parallel_loop3A_241, %parallel_loop3A_242] {strides = array<i32>} : memref<200x128xf32, #tpu.memory_space<vmem>>, vector<16xf32>,
        %parallel_loop3A_244 = arith.addf %parallel_loop3A_240, %parallel_loop3A_243 : vector<16xf32>
        %parallel_loop3A_245 = arith.mulf %parallel_loop3A_244, %parallel_loop3A_244 : vector<16xf32>
        %parallel_loop3A_246 = arith.constant 0 : i32
        %parallel_loop3A_247 = arith.constant 0 : i32
        %parallel_loop3A_248 = tpu.memref_slice %arg10[%parallel_loop3A_141, %parallel_loop3A_246, %parallel_loop3A_247] : memref<2x128x128xf32, #tpu.memory_space<vmem>> -> memref<1x128x128xf32, #tpu.memory_space<vmem>>
        %parallel_loop3A_249 = tpu.memref_squeeze %parallel_loop3A_248 : memref<1x128x128xf32, #tpu.memory_space<vmem>> -> memref<128x128xf32, #tpu.memory_space<vmem>>
        %parallel_loop3A_250 = arith.index_cast %parallel_loop3A_201 : i32 to index
        %parallel_loop3A_251 = arith.constant 32 : index
        %parallel_loop3A_252 = tpu.vector_load %parallel_loop3A_249[%parallel_loop3A_250, %parallel_loop3A_251] {strides = array<i32>} : memref<128x128xf32, #tpu.memory_space<vmem>>, vector<16xf32>,
        %parallel_loop3A_253 = arith.mulf %parallel_loop3A_252, %parallel_loop3A_214 : vector<16xf32>
        %parallel_loop3A_254 = arith.index_cast %parallel_loop3A_219 : i32 to index
        %parallel_loop3A_255 = arith.constant 32 : index
        %parallel_loop3A_256 = tpu.vector_load %arg11[%parallel_loop3A_254, %parallel_loop3A_255] {strides = array<i32>} : memref<200x128xf32, #tpu.memory_space<vmem>>, vector<16xf32>,
        %parallel_loop3A_257 = arith.addf %parallel_loop3A_253, %parallel_loop3A_256 : vector<16xf32>
        %parallel_loop3A_258 = arith.mulf %parallel_loop3A_257, %parallel_loop3A_257 : vector<16xf32>
        %parallel_loop3A_259 = arith.constant 0 : i32
        %parallel_loop3A_260 = arith.constant 0 : i32
        %parallel_loop3A_261 = tpu.memref_slice %arg10[%parallel_loop3A_141, %parallel_loop3A_259, %parallel_loop3A_260] : memref<2x128x128xf32, #tpu.memory_space<vmem>> -> memref<1x128x128xf32, #tpu.memory_space<vmem>>
        %parallel_loop3A_262 = tpu.memref_squeeze %parallel_loop3A_261 : memref<1x128x128xf32, #tpu.memory_space<vmem>> -> memref<128x128xf32, #tpu.memory_space<vmem>>
        %parallel_loop3A_263 = arith.index_cast %parallel_loop3A_201 : i32 to index
        %parallel_loop3A_264 = arith.constant 48 : index
        %parallel_loop3A_265 = tpu.vector_load %parallel_loop3A_262[%parallel_loop3A_263, %parallel_loop3A_264] {strides = array<i32>} : memref<128x128xf32, #tpu.memory_space<vmem>>, vector<16xf32>,
        %parallel_loop3A_266 = arith.mulf %parallel_loop3A_265, %parallel_loop3A_214 : vector<16xf32>
        %parallel_loop3A_267 = arith.index_cast %parallel_loop3A_219 : i32 to index
        %parallel_loop3A_268 = arith.constant 48 : index
        %parallel_loop3A_269 = tpu.vector_load %arg11[%parallel_loop3A_267, %parallel_loop3A_268] {strides = array<i32>} : memref<200x128xf32, #tpu.memory_space<vmem>>, vector<16xf32>,
        %parallel_loop3A_270 = arith.addf %parallel_loop3A_266, %parallel_loop3A_269 : vector<16xf32>
        %parallel_loop3A_271 = arith.mulf %parallel_loop3A_270, %parallel_loop3A_270 : vector<16xf32>
        %parallel_loop3A_272 = arith.constant 0 : i32
        %parallel_loop3A_273 = arith.constant 0 : i32
        %parallel_loop3A_274 = tpu.memref_slice %arg10[%parallel_loop3A_141, %parallel_loop3A_272, %parallel_loop3A_273] : memref<2x128x128xf32, #tpu.memory_space<vmem>> -> memref<1x128x128xf32, #tpu.memory_space<vmem>>
        %parallel_loop3A_275 = tpu.memref_squeeze %parallel_loop3A_274 : memref<1x128x128xf32, #tpu.memory_space<vmem>> -> memref<128x128xf32, #tpu.memory_space<vmem>>
        %parallel_loop3A_276 = arith.index_cast %parallel_loop3A_201 : i32 to index
        %parallel_loop3A_277 = arith.constant 64 : index
        %parallel_loop3A_278 = tpu.vector_load %parallel_loop3A_275[%parallel_loop3A_276, %parallel_loop3A_277] {strides = array<i32>} : memref<128x128xf32, #tpu.memory_space<vmem>>, vector<16xf32>,
        %parallel_loop3A_279 = arith.mulf %parallel_loop3A_278, %parallel_loop3A_214 : vector<16xf32>
        %parallel_loop3A_280 = arith.index_cast %parallel_loop3A_219 : i32 to index
        %parallel_loop3A_281 = arith.constant 64 : index
        %parallel_loop3A_282 = tpu.vector_load %arg11[%parallel_loop3A_280, %parallel_loop3A_281] {strides = array<i32>} : memref<200x128xf32, #tpu.memory_space<vmem>>, vector<16xf32>,
        %parallel_loop3A_283 = arith.addf %parallel_loop3A_279, %parallel_loop3A_282 : vector<16xf32>
        %parallel_loop3A_284 = arith.mulf %parallel_loop3A_283, %parallel_loop3A_283 : vector<16xf32>
        %parallel_loop3A_285 = arith.constant 0 : i32
        %parallel_loop3A_286 = arith.constant 0 : i32
        %parallel_loop3A_287 = tpu.memref_slice %arg10[%parallel_loop3A_141, %parallel_loop3A_285, %parallel_loop3A_286] : memref<2x128x128xf32, #tpu.memory_space<vmem>> -> memref<1x128x128xf32, #tpu.memory_space<vmem>>
        %parallel_loop3A_288 = tpu.memref_squeeze %parallel_loop3A_287 : memref<1x128x128xf32, #tpu.memory_space<vmem>> -> memref<128x128xf32, #tpu.memory_space<vmem>>
        %parallel_loop3A_289 = arith.index_cast %parallel_loop3A_201 : i32 to index
        %parallel_loop3A_290 = arith.constant 80 : index
        %parallel_loop3A_291 = tpu.vector_load %parallel_loop3A_288[%parallel_loop3A_289, %parallel_loop3A_290] {strides = array<i32>} : memref<128x128xf32, #tpu.memory_space<vmem>>, vector<16xf32>,
        %parallel_loop3A_292 = arith.mulf %parallel_loop3A_291, %parallel_loop3A_214 : vector<16xf32>
        %parallel_loop3A_293 = arith.index_cast %parallel_loop3A_219 : i32 to index
        %parallel_loop3A_294 = arith.constant 80 : index
        %parallel_loop3A_295 = tpu.vector_load %arg11[%parallel_loop3A_293, %parallel_loop3A_294] {strides = array<i32>} : memref<200x128xf32, #tpu.memory_space<vmem>>, vector<16xf32>,
        %parallel_loop3A_296 = arith.addf %parallel_loop3A_292, %parallel_loop3A_295 : vector<16xf32>
        %parallel_loop3A_297 = arith.mulf %parallel_loop3A_296, %parallel_loop3A_296 : vector<16xf32>
        %parallel_loop3A_298 = arith.constant 0 : i32
        %parallel_loop3A_299 = arith.constant 0 : i32
        %parallel_loop3A_300 = tpu.memref_slice %arg10[%parallel_loop3A_141, %parallel_loop3A_298, %parallel_loop3A_299] : memref<2x128x128xf32, #tpu.memory_space<vmem>> -> memref<1x128x128xf32, #tpu.memory_space<vmem>>
        %parallel_loop3A_301 = tpu.memref_squeeze %parallel_loop3A_300 : memref<1x128x128xf32, #tpu.memory_space<vmem>> -> memref<128x128xf32, #tpu.memory_space<vmem>>
        %parallel_loop3A_302 = arith.index_cast %parallel_loop3A_201 : i32 to index
        %parallel_loop3A_303 = arith.constant 96 : index
        %parallel_loop3A_304 = tpu.vector_load %parallel_loop3A_301[%parallel_loop3A_302, %parallel_loop3A_303] {strides = array<i32>} : memref<128x128xf32, #tpu.memory_space<vmem>>, vector<16xf32>,
        %parallel_loop3A_305 = arith.mulf %parallel_loop3A_304, %parallel_loop3A_214 : vector<16xf32>
        %parallel_loop3A_306 = arith.index_cast %parallel_loop3A_219 : i32 to index
        %parallel_loop3A_307 = arith.constant 96 : index
        %parallel_loop3A_308 = tpu.vector_load %arg11[%parallel_loop3A_306, %parallel_loop3A_307] {strides = array<i32>} : memref<200x128xf32, #tpu.memory_space<vmem>>, vector<16xf32>,
        %parallel_loop3A_309 = arith.addf %parallel_loop3A_305, %parallel_loop3A_308 : vector<16xf32>
        %parallel_loop3A_310 = arith.mulf %parallel_loop3A_309, %parallel_loop3A_309 : vector<16xf32>
        %parallel_loop3A_311 = arith.constant 0 : i32
        %parallel_loop3A_312 = arith.constant 0 : i32
        %parallel_loop3A_313 = tpu.memref_slice %arg10[%parallel_loop3A_141, %parallel_loop3A_311, %parallel_loop3A_312] : memref<2x128x128xf32, #tpu.memory_space<vmem>> -> memref<1x128x128xf32, #tpu.memory_space<vmem>>
        %parallel_loop3A_314 = tpu.memref_squeeze %parallel_loop3A_313 : memref<1x128x128xf32, #tpu.memory_space<vmem>> -> memref<128x128xf32, #tpu.memory_space<vmem>>
        %parallel_loop3A_315 = arith.index_cast %parallel_loop3A_201 : i32 to index
        %parallel_loop3A_316 = arith.constant 112 : index
        %parallel_loop3A_317 = tpu.vector_load %parallel_loop3A_314[%parallel_loop3A_315, %parallel_loop3A_316] {strides = array<i32>} : memref<128x128xf32, #tpu.memory_space<vmem>>, vector<16xf32>,
        %parallel_loop3A_318 = arith.mulf %parallel_loop3A_317, %parallel_loop3A_214 : vector<16xf32>
        %parallel_loop3A_319 = arith.index_cast %parallel_loop3A_219 : i32 to index
        %parallel_loop3A_320 = arith.constant 112 : index
        %parallel_loop3A_321 = tpu.vector_load %arg11[%parallel_loop3A_319, %parallel_loop3A_320] {strides = array<i32>} : memref<200x128xf32, #tpu.memory_space<vmem>>, vector<16xf32>,
        %parallel_loop3A_322 = arith.addf %parallel_loop3A_318, %parallel_loop3A_321 : vector<16xf32>
        %parallel_loop3A_323 = arith.mulf %parallel_loop3A_322, %parallel_loop3A_322 : vector<16xf32>
        %parallel_loop3A_324 = arith.addf %parallel_loop3A_231, %parallel_loop3A_244 : vector<16xf32>
        %parallel_loop3A_325 = arith.addf %parallel_loop3A_257, %parallel_loop3A_270 : vector<16xf32>
        %parallel_loop3A_326 = arith.addf %parallel_loop3A_283, %parallel_loop3A_296 : vector<16xf32>
        %parallel_loop3A_327 = arith.addf %parallel_loop3A_309, %parallel_loop3A_322 : vector<16xf32>
        %parallel_loop3A_328 = arith.addf %parallel_loop3A_324, %parallel_loop3A_325 : vector<16xf32>
        %parallel_loop3A_329 = arith.addf %parallel_loop3A_326, %parallel_loop3A_327 : vector<16xf32>
        %parallel_loop3A_330 = arith.addf %parallel_loop3A_328, %parallel_loop3A_329 : vector<16xf32>
        %parallel_loop3A_331 = arith.constant true
        %parallel_loop3A_332 = vector.broadcast %parallel_loop3A_331 : i1 to vector<16xi1>
        %parallel_loop3A_333 = tpu.scan <sum>, %parallel_loop3A_330 masked %parallel_loop3A_332 : vector<16xf32>, vector<16xi1> -> vector<16xf32>
        %parallel_loop3A_334 = vector.extract %parallel_loop3A_333[15] : f32 from vector<16xf32>
        %parallel_loop3A_335 = arith.addf %parallel_loop3A_232, %parallel_loop3A_245 : vector<16xf32>
        %parallel_loop3A_336 = arith.addf %parallel_loop3A_258, %parallel_loop3A_271 : vector<16xf32>
        %parallel_loop3A_337 = arith.addf %parallel_loop3A_284, %parallel_loop3A_297 : vector<16xf32>
        %parallel_loop3A_338 = arith.addf %parallel_loop3A_310, %parallel_loop3A_323 : vector<16xf32>
        %parallel_loop3A_339 = arith.addf %parallel_loop3A_335, %parallel_loop3A_336 : vector<16xf32>
        %parallel_loop3A_340 = arith.addf %parallel_loop3A_337, %parallel_loop3A_338 : vector<16xf32>
        %parallel_loop3A_341 = arith.addf %parallel_loop3A_339, %parallel_loop3A_340 : vector<16xf32>
        %parallel_loop3A_342 = arith.constant true
        %parallel_loop3A_343 = vector.broadcast %parallel_loop3A_342 : i1 to vector<16xi1>
        %parallel_loop3A_344 = tpu.scan <sum>, %parallel_loop3A_341 masked %parallel_loop3A_343 : vector<16xf32>, vector<16xi1> -> vector<16xf32>
        %parallel_loop3A_345 = vector.extract %parallel_loop3A_344[15] : f32 from vector<16xf32>
        %parallel_loop3A_346 = arith.mulf %parallel_loop3A_334, %scan3A_81 : f32
        %parallel_loop3A_347 = arith.mulf %parallel_loop3A_345, %scan3A_81 : f32
        %parallel_loop3A_348 = arith.mulf %parallel_loop3A_346, %parallel_loop3A_346 : f32
        %parallel_loop3A_349 = arith.subf %parallel_loop3A_347, %parallel_loop3A_348 : f32
        %parallel_loop3A_350 = arith.constant 9.99999996E-13 : f32
        %parallel_loop3A_351 = arith.addf %parallel_loop3A_349, %parallel_loop3A_350 : f32
        %parallel_loop3A_352 = arith.bitcast %parallel_loop3A_351 : f32 to i32
        %parallel_loop3A_353 = arith.constant 1 : i32
        %parallel_loop3A_354 = arith.shrsi %parallel_loop3A_352, %parallel_loop3A_353 : i32
        %parallel_loop3A_355 = arith.constant 1597463007 : i32
        %parallel_loop3A_356 = arith.subi %parallel_loop3A_355, %parallel_loop3A_354 : i32
        %parallel_loop3A_357 = arith.bitcast %parallel_loop3A_356 : i32 to f32
        %parallel_loop3A_358 = arith.constant 5.000000e-01 : f32
        %parallel_loop3A_359 = arith.mulf %parallel_loop3A_358, %parallel_loop3A_351 : f32
        %parallel_loop3A_360 = arith.mulf %parallel_loop3A_359, %parallel_loop3A_357 : f32
        %parallel_loop3A_361 = arith.mulf %parallel_loop3A_360, %parallel_loop3A_357 : f32
        %parallel_loop3A_362 = arith.constant 1.500000e+00 : f32
        %parallel_loop3A_363 = arith.subf %parallel_loop3A_362, %parallel_loop3A_361 : f32
        %parallel_loop3A_364 = arith.mulf %parallel_loop3A_357, %parallel_loop3A_363 : f32
        %parallel_loop3A_365 = arith.constant 5.000000e-01 : f32
        %parallel_loop3A_366 = arith.mulf %parallel_loop3A_365, %parallel_loop3A_351 : f32
        %parallel_loop3A_367 = arith.mulf %parallel_loop3A_366, %parallel_loop3A_364 : f32
        %parallel_loop3A_368 = arith.mulf %parallel_loop3A_367, %parallel_loop3A_364 : f32
        %parallel_loop3A_369 = arith.constant 1.500000e+00 : f32
        %parallel_loop3A_370 = arith.subf %parallel_loop3A_369, %parallel_loop3A_368 : f32
        %parallel_loop3A_371 = arith.mulf %parallel_loop3A_364, %parallel_loop3A_370 : f32
        %parallel_loop3A_372 = arith.constant 5.000000e-01 : f32
        %parallel_loop3A_373 = arith.mulf %parallel_loop3A_372, %parallel_loop3A_351 : f32
        %parallel_loop3A_374 = arith.mulf %parallel_loop3A_373, %parallel_loop3A_371 : f32
        %parallel_loop3A_375 = arith.mulf %parallel_loop3A_374, %parallel_loop3A_371 : f32
        %parallel_loop3A_376 = arith.constant 1.500000e+00 : f32
        %parallel_loop3A_377 = arith.subf %parallel_loop3A_376, %parallel_loop3A_375 : f32
        %parallel_loop3A_378 = arith.mulf %parallel_loop3A_371, %parallel_loop3A_377 : f32
        %parallel_loop3A_379 = vector.broadcast %parallel_loop3A_378 : f32 to vector<16xf32>
        %parallel_loop3A_380 = arith.constant 0.000000e+00 : f32
        %parallel_loop3A_381 = arith.subf %parallel_loop3A_380, %parallel_loop3A_346 : f32
        %parallel_loop3A_382 = arith.mulf %parallel_loop3A_381, %parallel_loop3A_378 : f32
        %parallel_loop3A_383 = vector.broadcast %parallel_loop3A_382 : f32 to vector<16xf32>
        %parallel_loop3A_384 = arith.mulf %parallel_loop3A_231, %parallel_loop3A_379 : vector<16xf32>
        %parallel_loop3A_385 = arith.addf %parallel_loop3A_384, %parallel_loop3A_383 : vector<16xf32>
        %parallel_loop3A_386 = arith.mulf %parallel_loop3A_385, %get3A_35 : vector<16xf32>
        %parallel_loop3A_387 = arith.addf %parallel_loop3A_386, %get3A_51 : vector<16xf32>
        %parallel_loop3A_388 = arith.constant 0 : i32
        %parallel_loop3A_389 = arith.constant 0 : i32
        %parallel_loop3A_390 = tpu.memref_slice %arg10[%parallel_loop3A_141, %parallel_loop3A_388, %parallel_loop3A_389] : memref<2x128x128xf32, #tpu.memory_space<vmem>> -> memref<1x128x128xf32, #tpu.memory_space<vmem>>
        %parallel_loop3A_391 = tpu.memref_squeeze %parallel_loop3A_390 : memref<1x128x128xf32, #tpu.memory_space<vmem>> -> memref<128x128xf32, #tpu.memory_space<vmem>>
        %parallel_loop3A_392 = arith.index_cast %parallel_loop3A_201 : i32 to index
        %parallel_loop3A_393 = arith.constant 0 : index
        %parallel_loop3A_394 = tpu.vector_load %parallel_loop3A_391[%parallel_loop3A_392, %parallel_loop3A_393] {strides = array<i32>} : memref<128x128xf32, #tpu.memory_space<vmem>>, vector<16xf32>,
        tpu.vector_store %parallel_loop3A_391[%parallel_loop3A_392, %parallel_loop3A_393], %parallel_loop3A_387 {strides = array<i32>} : memref<128x128xf32, #tpu.memory_space<vmem>>, vector<16xf32>,
        %parallel_loop3A_395 = arith.mulf %parallel_loop3A_244, %parallel_loop3A_379 : vector<16xf32>
        %parallel_loop3A_396 = arith.addf %parallel_loop3A_395, %parallel_loop3A_383 : vector<16xf32>
        %parallel_loop3A_397 = arith.mulf %parallel_loop3A_396, %get3A_37 : vector<16xf32>
        %parallel_loop3A_398 = arith.addf %parallel_loop3A_397, %get3A_53 : vector<16xf32>
        %parallel_loop3A_399 = arith.constant 0 : i32
        %parallel_loop3A_400 = arith.constant 0 : i32
        %parallel_loop3A_401 = tpu.memref_slice %arg10[%parallel_loop3A_141, %parallel_loop3A_399, %parallel_loop3A_400] : memref<2x128x128xf32, #tpu.memory_space<vmem>> -> memref<1x128x128xf32, #tpu.memory_space<vmem>>
        %parallel_loop3A_402 = tpu.memref_squeeze %parallel_loop3A_401 : memref<1x128x128xf32, #tpu.memory_space<vmem>> -> memref<128x128xf32, #tpu.memory_space<vmem>>
        %parallel_loop3A_403 = arith.index_cast %parallel_loop3A_201 : i32 to index
        %parallel_loop3A_404 = arith.constant 16 : index
        %parallel_loop3A_405 = tpu.vector_load %parallel_loop3A_402[%parallel_loop3A_403, %parallel_loop3A_404] {strides = array<i32>} : memref<128x128xf32, #tpu.memory_space<vmem>>, vector<16xf32>,
        tpu.vector_store %parallel_loop3A_402[%parallel_loop3A_403, %parallel_loop3A_404], %parallel_loop3A_398 {strides = array<i32>} : memref<128x128xf32, #tpu.memory_space<vmem>>, vector<16xf32>,
        %parallel_loop3A_406 = arith.mulf %parallel_loop3A_257, %parallel_loop3A_379 : vector<16xf32>
        %parallel_loop3A_407 = arith.addf %parallel_loop3A_406, %parallel_loop3A_383 : vector<16xf32>
        %parallel_loop3A_408 = arith.mulf %parallel_loop3A_407, %get3A_39 : vector<16xf32>
        %parallel_loop3A_409 = arith.addf %parallel_loop3A_408, %get3A_55 : vector<16xf32>
        %parallel_loop3A_410 = arith.constant 0 : i32
        %parallel_loop3A_411 = arith.constant 0 : i32
        %parallel_loop3A_412 = tpu.memref_slice %arg10[%parallel_loop3A_141, %parallel_loop3A_410, %parallel_loop3A_411] : memref<2x128x128xf32, #tpu.memory_space<vmem>> -> memref<1x128x128xf32, #tpu.memory_space<vmem>>
        %parallel_loop3A_413 = tpu.memref_squeeze %parallel_loop3A_412 : memref<1x128x128xf32, #tpu.memory_space<vmem>> -> memref<128x128xf32, #tpu.memory_space<vmem>>
        %parallel_loop3A_414 = arith.index_cast %parallel_loop3A_201 : i32 to index
        %parallel_loop3A_415 = arith.constant 32 : index
        %parallel_loop3A_416 = tpu.vector_load %parallel_loop3A_413[%parallel_loop3A_414, %parallel_loop3A_415] {strides = array<i32>} : memref<128x128xf32, #tpu.memory_space<vmem>>, vector<16xf32>,
        tpu.vector_store %parallel_loop3A_413[%parallel_loop3A_414, %parallel_loop3A_415], %parallel_loop3A_409 {strides = array<i32>} : memref<128x128xf32, #tpu.memory_space<vmem>>, vector<16xf32>,
        %parallel_loop3A_417 = arith.mulf %parallel_loop3A_270, %parallel_loop3A_379 : vector<16xf32>
        %parallel_loop3A_418 = arith.addf %parallel_loop3A_417, %parallel_loop3A_383 : vector<16xf32>
        %parallel_loop3A_419 = arith.mulf %parallel_loop3A_418, %get3A_41 : vector<16xf32>
        %parallel_loop3A_420 = arith.addf %parallel_loop3A_419, %get3A_57 : vector<16xf32>
        %parallel_loop3A_421 = arith.constant 0 : i32
        %parallel_loop3A_422 = arith.constant 0 : i32
        %parallel_loop3A_423 = tpu.memref_slice %arg10[%parallel_loop3A_141, %parallel_loop3A_421, %parallel_loop3A_422] : memref<2x128x128xf32, #tpu.memory_space<vmem>> -> memref<1x128x128xf32, #tpu.memory_space<vmem>>
        %parallel_loop3A_424 = tpu.memref_squeeze %parallel_loop3A_423 : memref<1x128x128xf32, #tpu.memory_space<vmem>> -> memref<128x128xf32, #tpu.memory_space<vmem>>
        %parallel_loop3A_425 = arith.index_cast %parallel_loop3A_201 : i32 to index
        %parallel_loop3A_426 = arith.constant 48 : index
        %parallel_loop3A_427 = tpu.vector_load %parallel_loop3A_424[%parallel_loop3A_425, %parallel_loop3A_426] {strides = array<i32>} : memref<128x128xf32, #tpu.memory_space<vmem>>, vector<16xf32>,
        tpu.vector_store %parallel_loop3A_424[%parallel_loop3A_425, %parallel_loop3A_426], %parallel_loop3A_420 {strides = array<i32>} : memref<128x128xf32, #tpu.memory_space<vmem>>, vector<16xf32>,
        %parallel_loop3A_428 = arith.mulf %parallel_loop3A_283, %parallel_loop3A_379 : vector<16xf32>
        %parallel_loop3A_429 = arith.addf %parallel_loop3A_428, %parallel_loop3A_383 : vector<16xf32>
        %parallel_loop3A_430 = arith.mulf %parallel_loop3A_429, %get3A_43 : vector<16xf32>
        %parallel_loop3A_431 = arith.addf %parallel_loop3A_430, %get3A_59 : vector<16xf32>
        %parallel_loop3A_432 = arith.constant 0 : i32
        %parallel_loop3A_433 = arith.constant 0 : i32
        %parallel_loop3A_434 = tpu.memref_slice %arg10[%parallel_loop3A_141, %parallel_loop3A_432, %parallel_loop3A_433] : memref<2x128x128xf32, #tpu.memory_space<vmem>> -> memref<1x128x128xf32, #tpu.memory_space<vmem>>
        %parallel_loop3A_435 = tpu.memref_squeeze %parallel_loop3A_434 : memref<1x128x128xf32, #tpu.memory_space<vmem>> -> memref<128x128xf32, #tpu.memory_space<vmem>>
        %parallel_loop3A_436 = arith.index_cast %parallel_loop3A_201 : i32 to index
        %parallel_loop3A_437 = arith.constant 64 : index
        %parallel_loop3A_438 = tpu.vector_load %parallel_loop3A_435[%parallel_loop3A_436, %parallel_loop3A_437] {strides = array<i32>} : memref<128x128xf32, #tpu.memory_space<vmem>>, vector<16xf32>,
        tpu.vector_store %parallel_loop3A_435[%parallel_loop3A_436, %parallel_loop3A_437], %parallel_loop3A_431 {strides = array<i32>} : memref<128x128xf32, #tpu.memory_space<vmem>>, vector<16xf32>,
        %parallel_loop3A_439 = arith.mulf %parallel_loop3A_296, %parallel_loop3A_379 : vector<16xf32>
        %parallel_loop3A_440 = arith.addf %parallel_loop3A_439, %parallel_loop3A_383 : vector<16xf32>
        %parallel_loop3A_441 = arith.mulf %parallel_loop3A_440, %get3A_45 : vector<16xf32>
        %parallel_loop3A_442 = arith.addf %parallel_loop3A_441, %get3A_61 : vector<16xf32>
        %parallel_loop3A_443 = arith.constant 0 : i32
        %parallel_loop3A_444 = arith.constant 0 : i32
        %parallel_loop3A_445 = tpu.memref_slice %arg10[%parallel_loop3A_141, %parallel_loop3A_443, %parallel_loop3A_444] : memref<2x128x128xf32, #tpu.memory_space<vmem>> -> memref<1x128x128xf32, #tpu.memory_space<vmem>>
        %parallel_loop3A_446 = tpu.memref_squeeze %parallel_loop3A_445 : memref<1x128x128xf32, #tpu.memory_space<vmem>> -> memref<128x128xf32, #tpu.memory_space<vmem>>
        %parallel_loop3A_447 = arith.index_cast %parallel_loop3A_201 : i32 to index
        %parallel_loop3A_448 = arith.constant 80 : index
        %parallel_loop3A_449 = tpu.vector_load %parallel_loop3A_446[%parallel_loop3A_447, %parallel_loop3A_448] {strides = array<i32>} : memref<128x128xf32, #tpu.memory_space<vmem>>, vector<16xf32>,
        tpu.vector_store %parallel_loop3A_446[%parallel_loop3A_447, %parallel_loop3A_448], %parallel_loop3A_442 {strides = array<i32>} : memref<128x128xf32, #tpu.memory_space<vmem>>, vector<16xf32>,
        %parallel_loop3A_450 = arith.mulf %parallel_loop3A_309, %parallel_loop3A_379 : vector<16xf32>
        %parallel_loop3A_451 = arith.addf %parallel_loop3A_450, %parallel_loop3A_383 : vector<16xf32>
        %parallel_loop3A_452 = arith.mulf %parallel_loop3A_451, %get3A_47 : vector<16xf32>
        %parallel_loop3A_453 = arith.addf %parallel_loop3A_452, %get3A_63 : vector<16xf32>
        %parallel_loop3A_454 = arith.constant 0 : i32
        %parallel_loop3A_455 = arith.constant 0 : i32
        %parallel_loop3A_456 = tpu.memref_slice %arg10[%parallel_loop3A_141, %parallel_loop3A_454, %parallel_loop3A_455] : memref<2x128x128xf32, #tpu.memory_space<vmem>> -> memref<1x128x128xf32, #tpu.memory_space<vmem>>
        %parallel_loop3A_457 = tpu.memref_squeeze %parallel_loop3A_456 : memref<1x128x128xf32, #tpu.memory_space<vmem>> -> memref<128x128xf32, #tpu.memory_space<vmem>>
        %parallel_loop3A_458 = arith.index_cast %parallel_loop3A_201 : i32 to index
        %parallel_loop3A_459 = arith.constant 96 : index
        %parallel_loop3A_460 = tpu.vector_load %parallel_loop3A_457[%parallel_loop3A_458, %parallel_loop3A_459] {strides = array<i32>} : memref<128x128xf32, #tpu.memory_space<vmem>>, vector<16xf32>,
        tpu.vector_store %parallel_loop3A_457[%parallel_loop3A_458, %parallel_loop3A_459], %parallel_loop3A_453 {strides = array<i32>} : memref<128x128xf32, #tpu.memory_space<vmem>>, vector<16xf32>,
        %parallel_loop3A_461 = arith.mulf %parallel_loop3A_322, %parallel_loop3A_379 : vector<16xf32>
        %parallel_loop3A_462 = arith.addf %parallel_loop3A_461, %parallel_loop3A_383 : vector<16xf32>
        %parallel_loop3A_463 = arith.mulf %parallel_loop3A_462, %get3A_49 : vector<16xf32>
        %parallel_loop3A_464 = arith.addf %parallel_loop3A_463, %get3A_65 : vector<16xf32>
        %parallel_loop3A_465 = arith.constant 0 : i32
        %parallel_loop3A_466 = arith.constant 0 : i32
        %parallel_loop3A_467 = tpu.memref_slice %arg10[%parallel_loop3A_141, %parallel_loop3A_465, %parallel_loop3A_466] : memref<2x128x128xf32, #tpu.memory_space<vmem>> -> memref<1x128x128xf32, #tpu.memory_space<vmem>>
        %parallel_loop3A_468 = tpu.memref_squeeze %parallel_loop3A_467 : memref<1x128x128xf32, #tpu.memory_space<vmem>> -> memref<128x128xf32, #tpu.memory_space<vmem>>
        %parallel_loop3A_469 = arith.index_cast %parallel_loop3A_201 : i32 to index
        %parallel_loop3A_470 = arith.constant 112 : index
        %parallel_loop3A_471 = tpu.vector_load %parallel_loop3A_468[%parallel_loop3A_469, %parallel_loop3A_470] {strides = array<i32>} : memref<128x128xf32, #tpu.memory_space<vmem>>, vector<16xf32>,
        tpu.vector_store %parallel_loop3A_468[%parallel_loop3A_469, %parallel_loop3A_470], %parallel_loop3A_464 {strides = array<i32>} : memref<128x128xf32, #tpu.memory_space<vmem>>, vector<16xf32>,
      } {sc.loop_unroll_factor = 1 : i64, sc.parallel_access}
      %mul3A_142 = arith.constant 128 : i32
      %mul3A_143 = arith.muli %add3A_123, %mul3A_142 : i32
      %add3A_144 = arith.addi %mul3A_2, %mul3A_143 : i32
      %dma_start3A_145 = arith.constant 0 : i32
      %dma_start3A_146 = arith.constant 0 : i32
      %dma_start3A_147 = arith.constant 0 : i32
      %dma_start3A_148 = tpu.memref_slice %arg10[%dma_start3A_145, %dma_start3A_146, %dma_start3A_147] : memref<2x128x128xf32, #tpu.memory_space<vmem>> -> memref<1x128x128xf32, #tpu.memory_space<vmem>>
      %dma_start3A_149 = tpu.memref_squeeze %dma_start3A_148 : memref<1x128x128xf32, #tpu.memory_space<vmem>> -> memref<128x128xf32, #tpu.memory_space<vmem>>
      %dma_start3A_150 = arith.constant 0 : i32
      %dma_start3A_151 = tpu.memref_slice %arg8[%add3A_144, %dma_start3A_150] : memref<204800x128xf32, #tpu.memory_space<hbm>> -> memref<128x128xf32, #tpu.memory_space<hbm>>
      %dma_start3A_152 = arith.constant 0 : i32
      %dma_start3A_153 = tpu.memref_slice %arg8[%add3A_144, %dma_start3A_152] : memref<204800x128xf32, #tpu.memory_space<hbm>> -> memref<128x128xf32, #tpu.memory_space<hbm>>
      %dma_start3A_154 = arith.constant 0 : i32
      %dma_start3A_155 = arith.constant 0 : i32
      %dma_start3A_156 = tpu.memref_slice %arg10[%dma_start3A_145, %dma_start3A_154, %dma_start3A_155] : memref<2x128x128xf32, #tpu.memory_space<vmem>> -> memref<1x128x128xf32, #tpu.memory_space<vmem>>
      %dma_start3A_157 = tpu.memref_squeeze %dma_start3A_156 : memref<1x128x128xf32, #tpu.memory_space<vmem>> -> memref<128x128xf32, #tpu.memory_space<vmem>>
      tpu.enqueue_dma source(%dma_start3A_157 : memref<128x128xf32, #tpu.memory_space<vmem>>) target(%dma_start3A_153 : memref<128x128xf32, #tpu.memory_space<hbm>>) target_semaphore(%arg17 : memref<!tpu.dma_semaphore, #tpu.memory_space<semaphore_mem>>)
      %mul3A_158 = arith.constant 2 : i32
      %mul3A_159 = arith.muli %scan3A_118, %mul3A_158 : i32
      %add3A_160 = arith.constant 1 : i32
      %add3A_161 = arith.addi %mul3A_159, %add3A_160 : i32
      %add3A_162 = arith.constant 1 : i32
      %add3A_163 = arith.addi %add3A_161, %add3A_162 : i32
      %lt3A_164 = arith.constant 50 : i32
      %lt3A_165 = arith.cmpi slt, %add3A_163, %lt3A_164 : i32
      %convert_element_type3A_166 = arith.extui %lt3A_165 : i1 to i32
      %cond3A_167 = arith.constant 0 : i32
      %cond3A_168 = arith.cmpi ne, %convert_element_type3A_166, %cond3A_167 : i32
      scf.if %cond3A_168 {
        %ge3A = arith.constant 1 : i32
        %ge3A_201 = arith.cmpi sge, %add3A_161, %ge3A : i32
        %convert_element_type3A_202 = arith.extui %ge3A_201 : i1 to i32
        %cond3A_203 = arith.constant 0 : i32
        %cond3A_204 = arith.cmpi ne, %convert_element_type3A_202, %cond3A_203 : i32
        scf.if %cond3A_204 {
          %sub3A = arith.constant 1 : i32
          %sub3A_218 = arith.subi %add3A_161, %sub3A : i32
          %mul3A_219 = arith.constant 128 : i32
          %mul3A_220 = arith.muli %sub3A_218, %mul3A_219 : i32
          %add3A_221 = arith.addi %mul3A_2, %mul3A_220 : i32
          %dma_wait3A_222 = arith.constant 0 : i32
          %dma_wait3A_223 = arith.constant 0 : i32
          %dma_wait3A_224 = arith.constant 0 : i32
          %dma_wait3A_225 = tpu.memref_slice %arg10[%dma_wait3A_222, %dma_wait3A_223, %dma_wait3A_224] : memref<2x128x128xf32, #tpu.memory_space<vmem>> -> memref<1x128x128xf32, #tpu.memory_space<vmem>>
          %dma_wait3A_226 = tpu.memref_squeeze %dma_wait3A_225 : memref<1x128x128xf32, #tpu.memory_space<vmem>> -> memref<128x128xf32, #tpu.memory_space<vmem>>
          %dma_wait3A_227 = arith.constant 0 : i32
          %dma_wait3A_228 = tpu.memref_slice %arg8[%add3A_221, %dma_wait3A_227] : memref<204800x128xf32, #tpu.memory_space<hbm>> -> memref<128x128xf32, #tpu.memory_space<hbm>>
          %dma_wait3A_229 = arith.constant 0 : i32
          %dma_wait3A_230 = tpu.memref_slice %arg8[%add3A_221, %dma_wait3A_229] : memref<204800x128xf32, #tpu.memory_space<hbm>> -> memref<128x128xf32, #tpu.memory_space<hbm>>
          %dma_wait3A_231 = arith.constant 0 : i32
          %dma_wait3A_232 = arith.constant 0 : i32
          %dma_wait3A_233 = tpu.memref_slice %arg10[%dma_wait3A_222, %dma_wait3A_231, %dma_wait3A_232] : memref<2x128x128xf32, #tpu.memory_space<vmem>> -> memref<1x128x128xf32, #tpu.memory_space<vmem>>
          %dma_wait3A_234 = tpu.memref_squeeze %dma_wait3A_233 : memref<1x128x128xf32, #tpu.memory_space<vmem>> -> memref<128x128xf32, #tpu.memory_space<vmem>>
          tpu.wait_dma2 semaphore(%arg17 : memref<!tpu.dma_semaphore, #tpu.memory_space<semaphore_mem>>) src(%dma_wait3A_234 : memref<128x128xf32, #tpu.memory_space<vmem>>) dst(%dma_wait3A_230 : memref<128x128xf32, #tpu.memory_space<hbm>>)
        } else {
        }
        %add3A_205 = arith.constant 1 : i32
        %add3A_206 = arith.addi %add3A_161, %add3A_205 : i32
        %mul3A_207 = arith.constant 128 : i32
        %mul3A_208 = arith.muli %add3A_206, %mul3A_207 : i32
        %dma_start3A_209 = arith.constant 0 : i32
        %dma_start3A_210 = arith.constant 0 : i32
        %dma_start3A_211 = arith.constant 0 : i32
        %dma_start3A_212 = tpu.memref_slice %arg10[%dma_start3A_209, %dma_start3A_210, %dma_start3A_211] : memref<2x128x128xf32, #tpu.memory_space<vmem>> -> memref<1x128x128xf32, #tpu.memory_space<vmem>>
        %dma_start3A_213 = tpu.memref_squeeze %dma_start3A_212 : memref<1x128x128xf32, #tpu.memory_space<vmem>> -> memref<128x128xf32, #tpu.memory_space<vmem>>
        %dma_start3A_214 = tpu.memref_slice %arg9[%mul3A_208] : memref<6400xi32, #tpu.memory_space<vmem>> -> memref<128xi32, #tpu.memory_space<vmem>>
        %dma_start3A_215 = arith.constant 0 : i32
        %dma_start3A_216 = arith.constant 0 : i32
        %dma_start3A_217 = tpu.memref_slice %arg3[%dma_start3A_215, %dma_start3A_216] : memref<100000x128xf32, #tpu.memory_space<hbm>> -> memref<100000x128xf32, #tpu.memory_space<hbm>>
        tpu.enqueue_indirect_dma source(%dma_start3A_217 : memref<100000x128xf32, #tpu.memory_space<hbm>>) target(%dma_start3A_213 : memref<128x128xf32, #tpu.memory_space<vmem>>) offsets(%dma_start3A_214 : memref<128xi32, #tpu.memory_space<vmem>>) semaphore(%arg15 : memref<!tpu.dma_semaphore, #tpu.memory_space<semaphore_mem>>)
      } else {
      }
      %mul3A_169 = arith.constant 128 : i32
      %mul3A_170 = arith.muli %add3A_161, %mul3A_169 : i32
      %dma_wait3A_171 = arith.constant 1 : i32
      %dma_wait3A_172 = arith.constant 0 : i32
      %dma_wait3A_173 = arith.constant 0 : i32
      %dma_wait3A_174 = tpu.memref_slice %arg10[%dma_wait3A_171, %dma_wait3A_172, %dma_wait3A_173] : memref<2x128x128xf32, #tpu.memory_space<vmem>> -> memref<1x128x128xf32, #tpu.memory_space<vmem>>
      %dma_wait3A_175 = tpu.memref_squeeze %dma_wait3A_174 : memref<1x128x128xf32, #tpu.memory_space<vmem>> -> memref<128x128xf32, #tpu.memory_space<vmem>>
      %dma_wait3A_176 = tpu.memref_slice %arg9[%mul3A_170] : memref<6400xi32, #tpu.memory_space<vmem>> -> memref<128xi32, #tpu.memory_space<vmem>>
      %dma_wait3A_177 = arith.constant 0 : i32
      %dma_wait3A_178 = arith.constant 0 : i32
      %dma_wait3A_179 = tpu.memref_slice %arg3[%dma_wait3A_177, %dma_wait3A_178] : memref<100000x128xf32, #tpu.memory_space<hbm>> -> memref<100000x128xf32, #tpu.memory_space<hbm>>
      tpu.wait_indirect_dma semaphore(%arg16 : memref<!tpu.dma_semaphore, #tpu.memory_space<semaphore_mem>>) src(%dma_wait3A_179 : memref<100000x128xf32, #tpu.memory_space<hbm>>) dst(%dma_wait3A_175 : memref<128x128xf32, #tpu.memory_space<vmem>>)
      %parallel_loop3A_180 = arith.constant 0 : i32
      %parallel_loop3A_181 = arith.constant 128 : i32
      %parallel_loop3A_182 = arith.constant 1 : i32
      %parallel_loop3A_183 = arith.constant 1 : i32
      scf.for %parallel_loop3A_201 = %parallel_loop3A_180 to %parallel_loop3A_181 step %parallel_loop3A_182  : i32 {
        %parallel_loop3A_202 = arith.constant 128 : i32
        %parallel_loop3A_203 = arith.muli %add3A_161, %parallel_loop3A_202 : i32
        %parallel_loop3A_204 = arith.addi %parallel_loop3A_203, %parallel_loop3A_201 : i32
        %parallel_loop3A_205 = vector.broadcast %parallel_loop3A_204 : i32 to vector<16xi32>
        %parallel_loop3A_206 = tpu.vector_load_idx %arg9[%parallel_loop3A_205] : memref<6400xi32, #tpu.memory_space<vmem>>[vector<16xi32>], vector<16xi32>,
        %parallel_loop3A_207 = arith.constant 0 : i32
        %parallel_loop3A_208 = vector.broadcast %parallel_loop3A_207 : i32 to vector<16xi32>
        %parallel_loop3A_209 = arith.cmpi eq, %parallel_loop3A_206, %parallel_loop3A_208 : vector<16xi32>
        %parallel_loop3A_210 = arith.constant 0.000000e+00 : f32
        %parallel_loop3A_211 = arith.constant 1.000000e+00 : f32
        %parallel_loop3A_212 = vector.broadcast %parallel_loop3A_210 : f32 to vector<16xf32>
        %parallel_loop3A_213 = vector.broadcast %parallel_loop3A_211 : f32 to vector<16xf32>
        %parallel_loop3A_214 = arith.select %parallel_loop3A_209, %parallel_loop3A_212, %parallel_loop3A_213 : vector<16xi1>, vector<16xf32>
        %parallel_loop3A_215 = arith.constant 128 : i32
        %parallel_loop3A_216 = arith.muli %add3A_161, %parallel_loop3A_215 : i32
        %parallel_loop3A_217 = arith.addi %parallel_loop3A_216, %parallel_loop3A_201 : i32
        %parallel_loop3A_218 = arith.constant 200 : i32
        %parallel_loop3A_219 = arith.remsi %parallel_loop3A_217, %parallel_loop3A_218 : i32
        %parallel_loop3A_220 = arith.constant 0 : i32
        %parallel_loop3A_221 = arith.constant 0 : i32
        %parallel_loop3A_222 = tpu.memref_slice %arg10[%parallel_loop3A_183, %parallel_loop3A_220, %parallel_loop3A_221] : memref<2x128x128xf32, #tpu.memory_space<vmem>> -> memref<1x128x128xf32, #tpu.memory_space<vmem>>
        %parallel_loop3A_223 = tpu.memref_squeeze %parallel_loop3A_222 : memref<1x128x128xf32, #tpu.memory_space<vmem>> -> memref<128x128xf32, #tpu.memory_space<vmem>>
        %parallel_loop3A_224 = arith.index_cast %parallel_loop3A_201 : i32 to index
        %parallel_loop3A_225 = arith.constant 0 : index
        %parallel_loop3A_226 = tpu.vector_load %parallel_loop3A_223[%parallel_loop3A_224, %parallel_loop3A_225] {strides = array<i32>} : memref<128x128xf32, #tpu.memory_space<vmem>>, vector<16xf32>,
        %parallel_loop3A_227 = arith.mulf %parallel_loop3A_226, %parallel_loop3A_214 : vector<16xf32>
        %parallel_loop3A_228 = arith.index_cast %parallel_loop3A_219 : i32 to index
        %parallel_loop3A_229 = arith.constant 0 : index
        %parallel_loop3A_230 = tpu.vector_load %arg11[%parallel_loop3A_228, %parallel_loop3A_229] {strides = array<i32>} : memref<200x128xf32, #tpu.memory_space<vmem>>, vector<16xf32>,
        %parallel_loop3A_231 = arith.addf %parallel_loop3A_227, %parallel_loop3A_230 : vector<16xf32>
        %parallel_loop3A_232 = arith.mulf %parallel_loop3A_231, %parallel_loop3A_231 : vector<16xf32>
        %parallel_loop3A_233 = arith.constant 0 : i32
        %parallel_loop3A_234 = arith.constant 0 : i32
        %parallel_loop3A_235 = tpu.memref_slice %arg10[%parallel_loop3A_183, %parallel_loop3A_233, %parallel_loop3A_234] : memref<2x128x128xf32, #tpu.memory_space<vmem>> -> memref<1x128x128xf32, #tpu.memory_space<vmem>>
        %parallel_loop3A_236 = tpu.memref_squeeze %parallel_loop3A_235 : memref<1x128x128xf32, #tpu.memory_space<vmem>> -> memref<128x128xf32, #tpu.memory_space<vmem>>
        %parallel_loop3A_237 = arith.index_cast %parallel_loop3A_201 : i32 to index
        %parallel_loop3A_238 = arith.constant 16 : index
        %parallel_loop3A_239 = tpu.vector_load %parallel_loop3A_236[%parallel_loop3A_237, %parallel_loop3A_238] {strides = array<i32>} : memref<128x128xf32, #tpu.memory_space<vmem>>, vector<16xf32>,
        %parallel_loop3A_240 = arith.mulf %parallel_loop3A_239, %parallel_loop3A_214 : vector<16xf32>
        %parallel_loop3A_241 = arith.index_cast %parallel_loop3A_219 : i32 to index
        %parallel_loop3A_242 = arith.constant 16 : index
        %parallel_loop3A_243 = tpu.vector_load %arg11[%parallel_loop3A_241, %parallel_loop3A_242] {strides = array<i32>} : memref<200x128xf32, #tpu.memory_space<vmem>>, vector<16xf32>,
        %parallel_loop3A_244 = arith.addf %parallel_loop3A_240, %parallel_loop3A_243 : vector<16xf32>
        %parallel_loop3A_245 = arith.mulf %parallel_loop3A_244, %parallel_loop3A_244 : vector<16xf32>
        %parallel_loop3A_246 = arith.constant 0 : i32
        %parallel_loop3A_247 = arith.constant 0 : i32
        %parallel_loop3A_248 = tpu.memref_slice %arg10[%parallel_loop3A_183, %parallel_loop3A_246, %parallel_loop3A_247] : memref<2x128x128xf32, #tpu.memory_space<vmem>> -> memref<1x128x128xf32, #tpu.memory_space<vmem>>
        %parallel_loop3A_249 = tpu.memref_squeeze %parallel_loop3A_248 : memref<1x128x128xf32, #tpu.memory_space<vmem>> -> memref<128x128xf32, #tpu.memory_space<vmem>>
        %parallel_loop3A_250 = arith.index_cast %parallel_loop3A_201 : i32 to index
        %parallel_loop3A_251 = arith.constant 32 : index
        %parallel_loop3A_252 = tpu.vector_load %parallel_loop3A_249[%parallel_loop3A_250, %parallel_loop3A_251] {strides = array<i32>} : memref<128x128xf32, #tpu.memory_space<vmem>>, vector<16xf32>,
        %parallel_loop3A_253 = arith.mulf %parallel_loop3A_252, %parallel_loop3A_214 : vector<16xf32>
        %parallel_loop3A_254 = arith.index_cast %parallel_loop3A_219 : i32 to index
        %parallel_loop3A_255 = arith.constant 32 : index
        %parallel_loop3A_256 = tpu.vector_load %arg11[%parallel_loop3A_254, %parallel_loop3A_255] {strides = array<i32>} : memref<200x128xf32, #tpu.memory_space<vmem>>, vector<16xf32>,
        %parallel_loop3A_257 = arith.addf %parallel_loop3A_253, %parallel_loop3A_256 : vector<16xf32>
        %parallel_loop3A_258 = arith.mulf %parallel_loop3A_257, %parallel_loop3A_257 : vector<16xf32>
        %parallel_loop3A_259 = arith.constant 0 : i32
        %parallel_loop3A_260 = arith.constant 0 : i32
        %parallel_loop3A_261 = tpu.memref_slice %arg10[%parallel_loop3A_183, %parallel_loop3A_259, %parallel_loop3A_260] : memref<2x128x128xf32, #tpu.memory_space<vmem>> -> memref<1x128x128xf32, #tpu.memory_space<vmem>>
        %parallel_loop3A_262 = tpu.memref_squeeze %parallel_loop3A_261 : memref<1x128x128xf32, #tpu.memory_space<vmem>> -> memref<128x128xf32, #tpu.memory_space<vmem>>
        %parallel_loop3A_263 = arith.index_cast %parallel_loop3A_201 : i32 to index
        %parallel_loop3A_264 = arith.constant 48 : index
        %parallel_loop3A_265 = tpu.vector_load %parallel_loop3A_262[%parallel_loop3A_263, %parallel_loop3A_264] {strides = array<i32>} : memref<128x128xf32, #tpu.memory_space<vmem>>, vector<16xf32>,
        %parallel_loop3A_266 = arith.mulf %parallel_loop3A_265, %parallel_loop3A_214 : vector<16xf32>
        %parallel_loop3A_267 = arith.index_cast %parallel_loop3A_219 : i32 to index
        %parallel_loop3A_268 = arith.constant 48 : index
        %parallel_loop3A_269 = tpu.vector_load %arg11[%parallel_loop3A_267, %parallel_loop3A_268] {strides = array<i32>} : memref<200x128xf32, #tpu.memory_space<vmem>>, vector<16xf32>,
        %parallel_loop3A_270 = arith.addf %parallel_loop3A_266, %parallel_loop3A_269 : vector<16xf32>
        %parallel_loop3A_271 = arith.mulf %parallel_loop3A_270, %parallel_loop3A_270 : vector<16xf32>
        %parallel_loop3A_272 = arith.constant 0 : i32
        %parallel_loop3A_273 = arith.constant 0 : i32
        %parallel_loop3A_274 = tpu.memref_slice %arg10[%parallel_loop3A_183, %parallel_loop3A_272, %parallel_loop3A_273] : memref<2x128x128xf32, #tpu.memory_space<vmem>> -> memref<1x128x128xf32, #tpu.memory_space<vmem>>
        %parallel_loop3A_275 = tpu.memref_squeeze %parallel_loop3A_274 : memref<1x128x128xf32, #tpu.memory_space<vmem>> -> memref<128x128xf32, #tpu.memory_space<vmem>>
        %parallel_loop3A_276 = arith.index_cast %parallel_loop3A_201 : i32 to index
        %parallel_loop3A_277 = arith.constant 64 : index
        %parallel_loop3A_278 = tpu.vector_load %parallel_loop3A_275[%parallel_loop3A_276, %parallel_loop3A_277] {strides = array<i32>} : memref<128x128xf32, #tpu.memory_space<vmem>>, vector<16xf32>,
        %parallel_loop3A_279 = arith.mulf %parallel_loop3A_278, %parallel_loop3A_214 : vector<16xf32>
        %parallel_loop3A_280 = arith.index_cast %parallel_loop3A_219 : i32 to index
        %parallel_loop3A_281 = arith.constant 64 : index
        %parallel_loop3A_282 = tpu.vector_load %arg11[%parallel_loop3A_280, %parallel_loop3A_281] {strides = array<i32>} : memref<200x128xf32, #tpu.memory_space<vmem>>, vector<16xf32>,
        %parallel_loop3A_283 = arith.addf %parallel_loop3A_279, %parallel_loop3A_282 : vector<16xf32>
        %parallel_loop3A_284 = arith.mulf %parallel_loop3A_283, %parallel_loop3A_283 : vector<16xf32>
        %parallel_loop3A_285 = arith.constant 0 : i32
        %parallel_loop3A_286 = arith.constant 0 : i32
        %parallel_loop3A_287 = tpu.memref_slice %arg10[%parallel_loop3A_183, %parallel_loop3A_285, %parallel_loop3A_286] : memref<2x128x128xf32, #tpu.memory_space<vmem>> -> memref<1x128x128xf32, #tpu.memory_space<vmem>>
        %parallel_loop3A_288 = tpu.memref_squeeze %parallel_loop3A_287 : memref<1x128x128xf32, #tpu.memory_space<vmem>> -> memref<128x128xf32, #tpu.memory_space<vmem>>
        %parallel_loop3A_289 = arith.index_cast %parallel_loop3A_201 : i32 to index
        %parallel_loop3A_290 = arith.constant 80 : index
        %parallel_loop3A_291 = tpu.vector_load %parallel_loop3A_288[%parallel_loop3A_289, %parallel_loop3A_290] {strides = array<i32>} : memref<128x128xf32, #tpu.memory_space<vmem>>, vector<16xf32>,
        %parallel_loop3A_292 = arith.mulf %parallel_loop3A_291, %parallel_loop3A_214 : vector<16xf32>
        %parallel_loop3A_293 = arith.index_cast %parallel_loop3A_219 : i32 to index
        %parallel_loop3A_294 = arith.constant 80 : index
        %parallel_loop3A_295 = tpu.vector_load %arg11[%parallel_loop3A_293, %parallel_loop3A_294] {strides = array<i32>} : memref<200x128xf32, #tpu.memory_space<vmem>>, vector<16xf32>,
        %parallel_loop3A_296 = arith.addf %parallel_loop3A_292, %parallel_loop3A_295 : vector<16xf32>
        %parallel_loop3A_297 = arith.mulf %parallel_loop3A_296, %parallel_loop3A_296 : vector<16xf32>
        %parallel_loop3A_298 = arith.constant 0 : i32
        %parallel_loop3A_299 = arith.constant 0 : i32
        %parallel_loop3A_300 = tpu.memref_slice %arg10[%parallel_loop3A_183, %parallel_loop3A_298, %parallel_loop3A_299] : memref<2x128x128xf32, #tpu.memory_space<vmem>> -> memref<1x128x128xf32, #tpu.memory_space<vmem>>
        %parallel_loop3A_301 = tpu.memref_squeeze %parallel_loop3A_300 : memref<1x128x128xf32, #tpu.memory_space<vmem>> -> memref<128x128xf32, #tpu.memory_space<vmem>>
        %parallel_loop3A_302 = arith.index_cast %parallel_loop3A_201 : i32 to index
        %parallel_loop3A_303 = arith.constant 96 : index
        %parallel_loop3A_304 = tpu.vector_load %parallel_loop3A_301[%parallel_loop3A_302, %parallel_loop3A_303] {strides = array<i32>} : memref<128x128xf32, #tpu.memory_space<vmem>>, vector<16xf32>,
        %parallel_loop3A_305 = arith.mulf %parallel_loop3A_304, %parallel_loop3A_214 : vector<16xf32>
        %parallel_loop3A_306 = arith.index_cast %parallel_loop3A_219 : i32 to index
        %parallel_loop3A_307 = arith.constant 96 : index
        %parallel_loop3A_308 = tpu.vector_load %arg11[%parallel_loop3A_306, %parallel_loop3A_307] {strides = array<i32>} : memref<200x128xf32, #tpu.memory_space<vmem>>, vector<16xf32>,
        %parallel_loop3A_309 = arith.addf %parallel_loop3A_305, %parallel_loop3A_308 : vector<16xf32>
        %parallel_loop3A_310 = arith.mulf %parallel_loop3A_309, %parallel_loop3A_309 : vector<16xf32>
        %parallel_loop3A_311 = arith.constant 0 : i32
        %parallel_loop3A_312 = arith.constant 0 : i32
        %parallel_loop3A_313 = tpu.memref_slice %arg10[%parallel_loop3A_183, %parallel_loop3A_311, %parallel_loop3A_312] : memref<2x128x128xf32, #tpu.memory_space<vmem>> -> memref<1x128x128xf32, #tpu.memory_space<vmem>>
        %parallel_loop3A_314 = tpu.memref_squeeze %parallel_loop3A_313 : memref<1x128x128xf32, #tpu.memory_space<vmem>> -> memref<128x128xf32, #tpu.memory_space<vmem>>
        %parallel_loop3A_315 = arith.index_cast %parallel_loop3A_201 : i32 to index
        %parallel_loop3A_316 = arith.constant 112 : index
        %parallel_loop3A_317 = tpu.vector_load %parallel_loop3A_314[%parallel_loop3A_315, %parallel_loop3A_316] {strides = array<i32>} : memref<128x128xf32, #tpu.memory_space<vmem>>, vector<16xf32>,
        %parallel_loop3A_318 = arith.mulf %parallel_loop3A_317, %parallel_loop3A_214 : vector<16xf32>
        %parallel_loop3A_319 = arith.index_cast %parallel_loop3A_219 : i32 to index
        %parallel_loop3A_320 = arith.constant 112 : index
        %parallel_loop3A_321 = tpu.vector_load %arg11[%parallel_loop3A_319, %parallel_loop3A_320] {strides = array<i32>} : memref<200x128xf32, #tpu.memory_space<vmem>>, vector<16xf32>,
        %parallel_loop3A_322 = arith.addf %parallel_loop3A_318, %parallel_loop3A_321 : vector<16xf32>
        %parallel_loop3A_323 = arith.mulf %parallel_loop3A_322, %parallel_loop3A_322 : vector<16xf32>
        %parallel_loop3A_324 = arith.addf %parallel_loop3A_231, %parallel_loop3A_244 : vector<16xf32>
        %parallel_loop3A_325 = arith.addf %parallel_loop3A_257, %parallel_loop3A_270 : vector<16xf32>
        %parallel_loop3A_326 = arith.addf %parallel_loop3A_283, %parallel_loop3A_296 : vector<16xf32>
        %parallel_loop3A_327 = arith.addf %parallel_loop3A_309, %parallel_loop3A_322 : vector<16xf32>
        %parallel_loop3A_328 = arith.addf %parallel_loop3A_324, %parallel_loop3A_325 : vector<16xf32>
        %parallel_loop3A_329 = arith.addf %parallel_loop3A_326, %parallel_loop3A_327 : vector<16xf32>
        %parallel_loop3A_330 = arith.addf %parallel_loop3A_328, %parallel_loop3A_329 : vector<16xf32>
        %parallel_loop3A_331 = arith.constant true
        %parallel_loop3A_332 = vector.broadcast %parallel_loop3A_331 : i1 to vector<16xi1>
        %parallel_loop3A_333 = tpu.scan <sum>, %parallel_loop3A_330 masked %parallel_loop3A_332 : vector<16xf32>, vector<16xi1> -> vector<16xf32>
        %parallel_loop3A_334 = vector.extract %parallel_loop3A_333[15] : f32 from vector<16xf32>
        %parallel_loop3A_335 = arith.addf %parallel_loop3A_232, %parallel_loop3A_245 : vector<16xf32>
        %parallel_loop3A_336 = arith.addf %parallel_loop3A_258, %parallel_loop3A_271 : vector<16xf32>
        %parallel_loop3A_337 = arith.addf %parallel_loop3A_284, %parallel_loop3A_297 : vector<16xf32>
        %parallel_loop3A_338 = arith.addf %parallel_loop3A_310, %parallel_loop3A_323 : vector<16xf32>
        %parallel_loop3A_339 = arith.addf %parallel_loop3A_335, %parallel_loop3A_336 : vector<16xf32>
        %parallel_loop3A_340 = arith.addf %parallel_loop3A_337, %parallel_loop3A_338 : vector<16xf32>
        %parallel_loop3A_341 = arith.addf %parallel_loop3A_339, %parallel_loop3A_340 : vector<16xf32>
        %parallel_loop3A_342 = arith.constant true
        %parallel_loop3A_343 = vector.broadcast %parallel_loop3A_342 : i1 to vector<16xi1>
        %parallel_loop3A_344 = tpu.scan <sum>, %parallel_loop3A_341 masked %parallel_loop3A_343 : vector<16xf32>, vector<16xi1> -> vector<16xf32>
        %parallel_loop3A_345 = vector.extract %parallel_loop3A_344[15] : f32 from vector<16xf32>
        %parallel_loop3A_346 = arith.mulf %parallel_loop3A_334, %scan3A_81 : f32
        %parallel_loop3A_347 = arith.mulf %parallel_loop3A_345, %scan3A_81 : f32
        %parallel_loop3A_348 = arith.mulf %parallel_loop3A_346, %parallel_loop3A_346 : f32
        %parallel_loop3A_349 = arith.subf %parallel_loop3A_347, %parallel_loop3A_348 : f32
        %parallel_loop3A_350 = arith.constant 9.99999996E-13 : f32
        %parallel_loop3A_351 = arith.addf %parallel_loop3A_349, %parallel_loop3A_350 : f32
        %parallel_loop3A_352 = arith.bitcast %parallel_loop3A_351 : f32 to i32
        %parallel_loop3A_353 = arith.constant 1 : i32
        %parallel_loop3A_354 = arith.shrsi %parallel_loop3A_352, %parallel_loop3A_353 : i32
        %parallel_loop3A_355 = arith.constant 1597463007 : i32
        %parallel_loop3A_356 = arith.subi %parallel_loop3A_355, %parallel_loop3A_354 : i32
        %parallel_loop3A_357 = arith.bitcast %parallel_loop3A_356 : i32 to f32
        %parallel_loop3A_358 = arith.constant 5.000000e-01 : f32
        %parallel_loop3A_359 = arith.mulf %parallel_loop3A_358, %parallel_loop3A_351 : f32
        %parallel_loop3A_360 = arith.mulf %parallel_loop3A_359, %parallel_loop3A_357 : f32
        %parallel_loop3A_361 = arith.mulf %parallel_loop3A_360, %parallel_loop3A_357 : f32
        %parallel_loop3A_362 = arith.constant 1.500000e+00 : f32
        %parallel_loop3A_363 = arith.subf %parallel_loop3A_362, %parallel_loop3A_361 : f32
        %parallel_loop3A_364 = arith.mulf %parallel_loop3A_357, %parallel_loop3A_363 : f32
        %parallel_loop3A_365 = arith.constant 5.000000e-01 : f32
        %parallel_loop3A_366 = arith.mulf %parallel_loop3A_365, %parallel_loop3A_351 : f32
        %parallel_loop3A_367 = arith.mulf %parallel_loop3A_366, %parallel_loop3A_364 : f32
        %parallel_loop3A_368 = arith.mulf %parallel_loop3A_367, %parallel_loop3A_364 : f32
        %parallel_loop3A_369 = arith.constant 1.500000e+00 : f32
        %parallel_loop3A_370 = arith.subf %parallel_loop3A_369, %parallel_loop3A_368 : f32
        %parallel_loop3A_371 = arith.mulf %parallel_loop3A_364, %parallel_loop3A_370 : f32
        %parallel_loop3A_372 = arith.constant 5.000000e-01 : f32
        %parallel_loop3A_373 = arith.mulf %parallel_loop3A_372, %parallel_loop3A_351 : f32
        %parallel_loop3A_374 = arith.mulf %parallel_loop3A_373, %parallel_loop3A_371 : f32
        %parallel_loop3A_375 = arith.mulf %parallel_loop3A_374, %parallel_loop3A_371 : f32
        %parallel_loop3A_376 = arith.constant 1.500000e+00 : f32
        %parallel_loop3A_377 = arith.subf %parallel_loop3A_376, %parallel_loop3A_375 : f32
        %parallel_loop3A_378 = arith.mulf %parallel_loop3A_371, %parallel_loop3A_377 : f32
        %parallel_loop3A_379 = vector.broadcast %parallel_loop3A_378 : f32 to vector<16xf32>
        %parallel_loop3A_380 = arith.constant 0.000000e+00 : f32
        %parallel_loop3A_381 = arith.subf %parallel_loop3A_380, %parallel_loop3A_346 : f32
        %parallel_loop3A_382 = arith.mulf %parallel_loop3A_381, %parallel_loop3A_378 : f32
        %parallel_loop3A_383 = vector.broadcast %parallel_loop3A_382 : f32 to vector<16xf32>
        %parallel_loop3A_384 = arith.mulf %parallel_loop3A_231, %parallel_loop3A_379 : vector<16xf32>
        %parallel_loop3A_385 = arith.addf %parallel_loop3A_384, %parallel_loop3A_383 : vector<16xf32>
        %parallel_loop3A_386 = arith.mulf %parallel_loop3A_385, %get3A_35 : vector<16xf32>
        %parallel_loop3A_387 = arith.addf %parallel_loop3A_386, %get3A_51 : vector<16xf32>
        %parallel_loop3A_388 = arith.constant 0 : i32
        %parallel_loop3A_389 = arith.constant 0 : i32
        %parallel_loop3A_390 = tpu.memref_slice %arg10[%parallel_loop3A_183, %parallel_loop3A_388, %parallel_loop3A_389] : memref<2x128x128xf32, #tpu.memory_space<vmem>> -> memref<1x128x128xf32, #tpu.memory_space<vmem>>
        %parallel_loop3A_391 = tpu.memref_squeeze %parallel_loop3A_390 : memref<1x128x128xf32, #tpu.memory_space<vmem>> -> memref<128x128xf32, #tpu.memory_space<vmem>>
        %parallel_loop3A_392 = arith.index_cast %parallel_loop3A_201 : i32 to index
        %parallel_loop3A_393 = arith.constant 0 : index
        %parallel_loop3A_394 = tpu.vector_load %parallel_loop3A_391[%parallel_loop3A_392, %parallel_loop3A_393] {strides = array<i32>} : memref<128x128xf32, #tpu.memory_space<vmem>>, vector<16xf32>,
        tpu.vector_store %parallel_loop3A_391[%parallel_loop3A_392, %parallel_loop3A_393], %parallel_loop3A_387 {strides = array<i32>} : memref<128x128xf32, #tpu.memory_space<vmem>>, vector<16xf32>,
        %parallel_loop3A_395 = arith.mulf %parallel_loop3A_244, %parallel_loop3A_379 : vector<16xf32>
        %parallel_loop3A_396 = arith.addf %parallel_loop3A_395, %parallel_loop3A_383 : vector<16xf32>
        %parallel_loop3A_397 = arith.mulf %parallel_loop3A_396, %get3A_37 : vector<16xf32>
        %parallel_loop3A_398 = arith.addf %parallel_loop3A_397, %get3A_53 : vector<16xf32>
        %parallel_loop3A_399 = arith.constant 0 : i32
        %parallel_loop3A_400 = arith.constant 0 : i32
        %parallel_loop3A_401 = tpu.memref_slice %arg10[%parallel_loop3A_183, %parallel_loop3A_399, %parallel_loop3A_400] : memref<2x128x128xf32, #tpu.memory_space<vmem>> -> memref<1x128x128xf32, #tpu.memory_space<vmem>>
        %parallel_loop3A_402 = tpu.memref_squeeze %parallel_loop3A_401 : memref<1x128x128xf32, #tpu.memory_space<vmem>> -> memref<128x128xf32, #tpu.memory_space<vmem>>
        %parallel_loop3A_403 = arith.index_cast %parallel_loop3A_201 : i32 to index
        %parallel_loop3A_404 = arith.constant 16 : index
        %parallel_loop3A_405 = tpu.vector_load %parallel_loop3A_402[%parallel_loop3A_403, %parallel_loop3A_404] {strides = array<i32>} : memref<128x128xf32, #tpu.memory_space<vmem>>, vector<16xf32>,
        tpu.vector_store %parallel_loop3A_402[%parallel_loop3A_403, %parallel_loop3A_404], %parallel_loop3A_398 {strides = array<i32>} : memref<128x128xf32, #tpu.memory_space<vmem>>, vector<16xf32>,
        %parallel_loop3A_406 = arith.mulf %parallel_loop3A_257, %parallel_loop3A_379 : vector<16xf32>
        %parallel_loop3A_407 = arith.addf %parallel_loop3A_406, %parallel_loop3A_383 : vector<16xf32>
        %parallel_loop3A_408 = arith.mulf %parallel_loop3A_407, %get3A_39 : vector<16xf32>
        %parallel_loop3A_409 = arith.addf %parallel_loop3A_408, %get3A_55 : vector<16xf32>
        %parallel_loop3A_410 = arith.constant 0 : i32
        %parallel_loop3A_411 = arith.constant 0 : i32
        %parallel_loop3A_412 = tpu.memref_slice %arg10[%parallel_loop3A_183, %parallel_loop3A_410, %parallel_loop3A_411] : memref<2x128x128xf32, #tpu.memory_space<vmem>> -> memref<1x128x128xf32, #tpu.memory_space<vmem>>
        %parallel_loop3A_413 = tpu.memref_squeeze %parallel_loop3A_412 : memref<1x128x128xf32, #tpu.memory_space<vmem>> -> memref<128x128xf32, #tpu.memory_space<vmem>>
        %parallel_loop3A_414 = arith.index_cast %parallel_loop3A_201 : i32 to index
        %parallel_loop3A_415 = arith.constant 32 : index
        %parallel_loop3A_416 = tpu.vector_load %parallel_loop3A_413[%parallel_loop3A_414, %parallel_loop3A_415] {strides = array<i32>} : memref<128x128xf32, #tpu.memory_space<vmem>>, vector<16xf32>,
        tpu.vector_store %parallel_loop3A_413[%parallel_loop3A_414, %parallel_loop3A_415], %parallel_loop3A_409 {strides = array<i32>} : memref<128x128xf32, #tpu.memory_space<vmem>>, vector<16xf32>,
        %parallel_loop3A_417 = arith.mulf %parallel_loop3A_270, %parallel_loop3A_379 : vector<16xf32>
        %parallel_loop3A_418 = arith.addf %parallel_loop3A_417, %parallel_loop3A_383 : vector<16xf32>
        %parallel_loop3A_419 = arith.mulf %parallel_loop3A_418, %get3A_41 : vector<16xf32>
        %parallel_loop3A_420 = arith.addf %parallel_loop3A_419, %get3A_57 : vector<16xf32>
        %parallel_loop3A_421 = arith.constant 0 : i32
        %parallel_loop3A_422 = arith.constant 0 : i32
        %parallel_loop3A_423 = tpu.memref_slice %arg10[%parallel_loop3A_183, %parallel_loop3A_421, %parallel_loop3A_422] : memref<2x128x128xf32, #tpu.memory_space<vmem>> -> memref<1x128x128xf32, #tpu.memory_space<vmem>>
        %parallel_loop3A_424 = tpu.memref_squeeze %parallel_loop3A_423 : memref<1x128x128xf32, #tpu.memory_space<vmem>> -> memref<128x128xf32, #tpu.memory_space<vmem>>
        %parallel_loop3A_425 = arith.index_cast %parallel_loop3A_201 : i32 to index
        %parallel_loop3A_426 = arith.constant 48 : index
        %parallel_loop3A_427 = tpu.vector_load %parallel_loop3A_424[%parallel_loop3A_425, %parallel_loop3A_426] {strides = array<i32>} : memref<128x128xf32, #tpu.memory_space<vmem>>, vector<16xf32>,
        tpu.vector_store %parallel_loop3A_424[%parallel_loop3A_425, %parallel_loop3A_426], %parallel_loop3A_420 {strides = array<i32>} : memref<128x128xf32, #tpu.memory_space<vmem>>, vector<16xf32>,
        %parallel_loop3A_428 = arith.mulf %parallel_loop3A_283, %parallel_loop3A_379 : vector<16xf32>
        %parallel_loop3A_429 = arith.addf %parallel_loop3A_428, %parallel_loop3A_383 : vector<16xf32>
        %parallel_loop3A_430 = arith.mulf %parallel_loop3A_429, %get3A_43 : vector<16xf32>
        %parallel_loop3A_431 = arith.addf %parallel_loop3A_430, %get3A_59 : vector<16xf32>
        %parallel_loop3A_432 = arith.constant 0 : i32
        %parallel_loop3A_433 = arith.constant 0 : i32
        %parallel_loop3A_434 = tpu.memref_slice %arg10[%parallel_loop3A_183, %parallel_loop3A_432, %parallel_loop3A_433] : memref<2x128x128xf32, #tpu.memory_space<vmem>> -> memref<1x128x128xf32, #tpu.memory_space<vmem>>
        %parallel_loop3A_435 = tpu.memref_squeeze %parallel_loop3A_434 : memref<1x128x128xf32, #tpu.memory_space<vmem>> -> memref<128x128xf32, #tpu.memory_space<vmem>>
        %parallel_loop3A_436 = arith.index_cast %parallel_loop3A_201 : i32 to index
        %parallel_loop3A_437 = arith.constant 64 : index
        %parallel_loop3A_438 = tpu.vector_load %parallel_loop3A_435[%parallel_loop3A_436, %parallel_loop3A_437] {strides = array<i32>} : memref<128x128xf32, #tpu.memory_space<vmem>>, vector<16xf32>,
        tpu.vector_store %parallel_loop3A_435[%parallel_loop3A_436, %parallel_loop3A_437], %parallel_loop3A_431 {strides = array<i32>} : memref<128x128xf32, #tpu.memory_space<vmem>>, vector<16xf32>,
        %parallel_loop3A_439 = arith.mulf %parallel_loop3A_296, %parallel_loop3A_379 : vector<16xf32>
        %parallel_loop3A_440 = arith.addf %parallel_loop3A_439, %parallel_loop3A_383 : vector<16xf32>
        %parallel_loop3A_441 = arith.mulf %parallel_loop3A_440, %get3A_45 : vector<16xf32>
        %parallel_loop3A_442 = arith.addf %parallel_loop3A_441, %get3A_61 : vector<16xf32>
        %parallel_loop3A_443 = arith.constant 0 : i32
        %parallel_loop3A_444 = arith.constant 0 : i32
        %parallel_loop3A_445 = tpu.memref_slice %arg10[%parallel_loop3A_183, %parallel_loop3A_443, %parallel_loop3A_444] : memref<2x128x128xf32, #tpu.memory_space<vmem>> -> memref<1x128x128xf32, #tpu.memory_space<vmem>>
        %parallel_loop3A_446 = tpu.memref_squeeze %parallel_loop3A_445 : memref<1x128x128xf32, #tpu.memory_space<vmem>> -> memref<128x128xf32, #tpu.memory_space<vmem>>
        %parallel_loop3A_447 = arith.index_cast %parallel_loop3A_201 : i32 to index
        %parallel_loop3A_448 = arith.constant 80 : index
        %parallel_loop3A_449 = tpu.vector_load %parallel_loop3A_446[%parallel_loop3A_447, %parallel_loop3A_448] {strides = array<i32>} : memref<128x128xf32, #tpu.memory_space<vmem>>, vector<16xf32>,
        tpu.vector_store %parallel_loop3A_446[%parallel_loop3A_447, %parallel_loop3A_448], %parallel_loop3A_442 {strides = array<i32>} : memref<128x128xf32, #tpu.memory_space<vmem>>, vector<16xf32>,
        %parallel_loop3A_450 = arith.mulf %parallel_loop3A_309, %parallel_loop3A_379 : vector<16xf32>
        %parallel_loop3A_451 = arith.addf %parallel_loop3A_450, %parallel_loop3A_383 : vector<16xf32>
        %parallel_loop3A_452 = arith.mulf %parallel_loop3A_451, %get3A_47 : vector<16xf32>
        %parallel_loop3A_453 = arith.addf %parallel_loop3A_452, %get3A_63 : vector<16xf32>
        %parallel_loop3A_454 = arith.constant 0 : i32
        %parallel_loop3A_455 = arith.constant 0 : i32
        %parallel_loop3A_456 = tpu.memref_slice %arg10[%parallel_loop3A_183, %parallel_loop3A_454, %parallel_loop3A_455] : memref<2x128x128xf32, #tpu.memory_space<vmem>> -> memref<1x128x128xf32, #tpu.memory_space<vmem>>
        %parallel_loop3A_457 = tpu.memref_squeeze %parallel_loop3A_456 : memref<1x128x128xf32, #tpu.memory_space<vmem>> -> memref<128x128xf32, #tpu.memory_space<vmem>>
        %parallel_loop3A_458 = arith.index_cast %parallel_loop3A_201 : i32 to index
        %parallel_loop3A_459 = arith.constant 96 : index
        %parallel_loop3A_460 = tpu.vector_load %parallel_loop3A_457[%parallel_loop3A_458, %parallel_loop3A_459] {strides = array<i32>} : memref<128x128xf32, #tpu.memory_space<vmem>>, vector<16xf32>,
        tpu.vector_store %parallel_loop3A_457[%parallel_loop3A_458, %parallel_loop3A_459], %parallel_loop3A_453 {strides = array<i32>} : memref<128x128xf32, #tpu.memory_space<vmem>>, vector<16xf32>,
        %parallel_loop3A_461 = arith.mulf %parallel_loop3A_322, %parallel_loop3A_379 : vector<16xf32>
        %parallel_loop3A_462 = arith.addf %parallel_loop3A_461, %parallel_loop3A_383 : vector<16xf32>
        %parallel_loop3A_463 = arith.mulf %parallel_loop3A_462, %get3A_49 : vector<16xf32>
        %parallel_loop3A_464 = arith.addf %parallel_loop3A_463, %get3A_65 : vector<16xf32>
        %parallel_loop3A_465 = arith.constant 0 : i32
        %parallel_loop3A_466 = arith.constant 0 : i32
        %parallel_loop3A_467 = tpu.memref_slice %arg10[%parallel_loop3A_183, %parallel_loop3A_465, %parallel_loop3A_466] : memref<2x128x128xf32, #tpu.memory_space<vmem>> -> memref<1x128x128xf32, #tpu.memory_space<vmem>>
        %parallel_loop3A_468 = tpu.memref_squeeze %parallel_loop3A_467 : memref<1x128x128xf32, #tpu.memory_space<vmem>> -> memref<128x128xf32, #tpu.memory_space<vmem>>
        %parallel_loop3A_469 = arith.index_cast %parallel_loop3A_201 : i32 to index
        %parallel_loop3A_470 = arith.constant 112 : index
        %parallel_loop3A_471 = tpu.vector_load %parallel_loop3A_468[%parallel_loop3A_469, %parallel_loop3A_470] {strides = array<i32>} : memref<128x128xf32, #tpu.memory_space<vmem>>, vector<16xf32>,
        tpu.vector_store %parallel_loop3A_468[%parallel_loop3A_469, %parallel_loop3A_470], %parallel_loop3A_464 {strides = array<i32>} : memref<128x128xf32, #tpu.memory_space<vmem>>, vector<16xf32>,
      } {sc.loop_unroll_factor = 1 : i64, sc.parallel_access}
      %mul3A_184 = arith.constant 128 : i32
      %mul3A_185 = arith.muli %add3A_161, %mul3A_184 : i32
      %add3A_186 = arith.addi %mul3A_2, %mul3A_185 : i32
      %dma_start3A_187 = arith.constant 1 : i32
      %dma_start3A_188 = arith.constant 0 : i32
      %dma_start3A_189 = arith.constant 0 : i32
      %dma_start3A_190 = tpu.memref_slice %arg10[%dma_start3A_187, %dma_start3A_188, %dma_start3A_189] : memref<2x128x128xf32, #tpu.memory_space<vmem>> -> memref<1x128x128xf32, #tpu.memory_space<vmem>>
      %dma_start3A_191 = tpu.memref_squeeze %dma_start3A_190 : memref<1x128x128xf32, #tpu.memory_space<vmem>> -> memref<128x128xf32, #tpu.memory_space<vmem>>
      %dma_start3A_192 = arith.constant 0 : i32
      %dma_start3A_193 = tpu.memref_slice %arg8[%add3A_186, %dma_start3A_192] : memref<204800x128xf32, #tpu.memory_space<hbm>> -> memref<128x128xf32, #tpu.memory_space<hbm>>
      %dma_start3A_194 = arith.constant 0 : i32
      %dma_start3A_195 = tpu.memref_slice %arg8[%add3A_186, %dma_start3A_194] : memref<204800x128xf32, #tpu.memory_space<hbm>> -> memref<128x128xf32, #tpu.memory_space<hbm>>
      %dma_start3A_196 = arith.constant 0 : i32
      %dma_start3A_197 = arith.constant 0 : i32
      %dma_start3A_198 = tpu.memref_slice %arg10[%dma_start3A_187, %dma_start3A_196, %dma_start3A_197] : memref<2x128x128xf32, #tpu.memory_space<vmem>> -> memref<1x128x128xf32, #tpu.memory_space<vmem>>
      %dma_start3A_199 = tpu.memref_squeeze %dma_start3A_198 : memref<1x128x128xf32, #tpu.memory_space<vmem>> -> memref<128x128xf32, #tpu.memory_space<vmem>>
      tpu.enqueue_dma source(%dma_start3A_199 : memref<128x128xf32, #tpu.memory_space<vmem>>) target(%dma_start3A_195 : memref<128x128xf32, #tpu.memory_space<hbm>>) target_semaphore(%arg18 : memref<!tpu.dma_semaphore, #tpu.memory_space<semaphore_mem>>)
      %scan3A_200 = arith.constant 0 : i32
      scf.yield %scan3A_200 : i32
    }
    %scan3A_88 = arith.constant 25 : i32
    %add3A_89 = arith.constant 6144 : i32
    %add3A_90 = arith.addi %mul3A_2, %add3A_89 : i32
    %dma_wait3A = arith.constant 0 : i32
    %dma_wait3A_91 = arith.constant 0 : i32
    %dma_wait3A_92 = arith.constant 0 : i32
    %dma_wait3A_93 = tpu.memref_slice %arg10[%dma_wait3A, %dma_wait3A_91, %dma_wait3A_92] : memref<2x128x128xf32, #tpu.memory_space<vmem>> -> memref<1x128x128xf32, #tpu.memory_space<vmem>>
    %dma_wait3A_94 = tpu.memref_squeeze %dma_wait3A_93 : memref<1x128x128xf32, #tpu.memory_space<vmem>> -> memref<128x128xf32, #tpu.memory_space<vmem>>
    %dma_wait3A_95 = arith.constant 0 : i32
    %dma_wait3A_96 = tpu.memref_slice %arg8[%add3A_90, %dma_wait3A_95] : memref<204800x128xf32, #tpu.memory_space<hbm>> -> memref<128x128xf32, #tpu.memory_space<hbm>>
    %dma_wait3A_97 = arith.constant 0 : i32
    %dma_wait3A_98 = tpu.memref_slice %arg8[%add3A_90, %dma_wait3A_97] : memref<204800x128xf32, #tpu.memory_space<hbm>> -> memref<128x128xf32, #tpu.memory_space<hbm>>
    %dma_wait3A_99 = arith.constant 0 : i32
    %dma_wait3A_100 = arith.constant 0 : i32
    %dma_wait3A_101 = tpu.memref_slice %arg10[%dma_wait3A, %dma_wait3A_99, %dma_wait3A_100] : memref<2x128x128xf32, #tpu.memory_space<vmem>> -> memref<1x128x128xf32, #tpu.memory_space<vmem>>
    %dma_wait3A_102 = tpu.memref_squeeze %dma_wait3A_101 : memref<1x128x128xf32, #tpu.memory_space<vmem>> -> memref<128x128xf32, #tpu.memory_space<vmem>>
    tpu.wait_dma2 semaphore(%arg17 : memref<!tpu.dma_semaphore, #tpu.memory_space<semaphore_mem>>) src(%dma_wait3A_102 : memref<128x128xf32, #tpu.memory_space<vmem>>) dst(%dma_wait3A_98 : memref<128x128xf32, #tpu.memory_space<hbm>>)
    %add3A_103 = arith.constant 6272 : i32
    %add3A_104 = arith.addi %mul3A_2, %add3A_103 : i32
    %dma_wait3A_105 = arith.constant 1 : i32
    %dma_wait3A_106 = arith.constant 0 : i32
    %dma_wait3A_107 = arith.constant 0 : i32
    %dma_wait3A_108 = tpu.memref_slice %arg10[%dma_wait3A_105, %dma_wait3A_106, %dma_wait3A_107] : memref<2x128x128xf32, #tpu.memory_space<vmem>> -> memref<1x128x128xf32, #tpu.memory_space<vmem>>
    %dma_wait3A_109 = tpu.memref_squeeze %dma_wait3A_108 : memref<1x128x128xf32, #tpu.memory_space<vmem>> -> memref<128x128xf32, #tpu.memory_space<vmem>>
    %dma_wait3A_110 = arith.constant 0 : i32
    %dma_wait3A_111 = tpu.memref_slice %arg8[%add3A_104, %dma_wait3A_110] : memref<204800x128xf32, #tpu.memory_space<hbm>> -> memref<128x128xf32, #tpu.memory_space<hbm>>
    %dma_wait3A_112 = arith.constant 0 : i32
    %dma_wait3A_113 = tpu.memref_slice %arg8[%add3A_104, %dma_wait3A_112] : memref<204800x128xf32, #tpu.memory_space<hbm>> -> memref<128x128xf32, #tpu.memory_space<hbm>>
    %dma_wait3A_114 = arith.constant 0 : i32
    %dma_wait3A_115 = arith.constant 0 : i32
    %dma_wait3A_116 = tpu.memref_slice %arg10[%dma_wait3A_105, %dma_wait3A_114, %dma_wait3A_115] : memref<2x128x128xf32, #tpu.memory_space<vmem>> -> memref<1x128x128xf32, #tpu.memory_space<vmem>>
    %dma_wait3A_117 = tpu.memref_squeeze %dma_wait3A_116 : memref<1x128x128xf32, #tpu.memory_space<vmem>> -> memref<128x128xf32, #tpu.memory_space<vmem>>
    tpu.wait_dma2 semaphore(%arg18 : memref<!tpu.dma_semaphore, #tpu.memory_space<semaphore_mem>>) src(%dma_wait3A_117 : memref<128x128xf32, #tpu.memory_space<vmem>>) dst(%dma_wait3A_113 : memref<128x128xf32, #tpu.memory_space<hbm>>)
    return
  }
}

</mosaic_0001>

<sc_bundles>
// kernel: kernel.3.cloned.1.call-start
scs
__scs_entry_jumppad:
0x0: {  	(pc) =	sbr.rel $0x88, $3  }
0x1: {  	(tag) =	ssettag $0x0;
	lr =	simm.s32 $0x1  }
0x2: {  	[smem:$0x3F9B] =	sst lr;
	_ =	strace $0xD0000000  }
0x3: {  	_ = 	snop  }
0x4: {  	_ = 	snop  }
0x5: {  	_ = 	snop  }
0x6: {  	_ = 	snop  }
0x7: {  	_ = 	snop  }
__scs_overlays_trampoline_lowered:
0x8: {  	[smem:$0x3FAA] =	sst s0  }
0x9: {  	[smem:$0x3FAB] =	sst s1  }
0xa: {  	[smem:$0x3FAC] =	sst s2  }
0xb: {  	[smem:$0x3FAD] =	sst s3  }
0xc: {  	[smem:$0x3FAE] =	sst s4  }
0xd: {  	[smem:$0x3FAF] =	sst s5  }
0xe: {  	[smem:$0x3FB0] =	sst s6  }
0xf: {  	[smem:$0x3FB1] =	sst s7  }
0x10: {  	[smem:$0x3FB2] =	sst s8  }
0x11: {  	[smem:$0x3FB3] =	sst s9;
	s0 =	simm.s32 @!p0 $0x0  }
0x12: {  	s1 =	sld [smem:$0x3F99];
	s0 =	simm.s32 @p0 $0x1  }
0x13: {  	[smem:$0x3FB4] =	sst s0;
	s0 =	simm.s32 @!p1 $0x0  }
0x14: {  	s2 =	sld [smem:$0x3F98];
	s0 =	simm.s32 @p1 $0x1  }
0x15: {  	[smem:$0x3FB5] =	sst s0;
	s0 =	simm.s32 @!p2 $0x0  }
0x16: {  	s3 =	sld [smem:$0x3FDB];
	s0 =	simm.s32 @p2 $0x1  }
0x17: {  	s4 =	simm.s32 $0x1BF5;
	[smem:$0x3FB7] =	sst s0  }
0x18: {  	s0 =	sld [smem:$0x3F9A];
	_ =	swait.ge [sflag:s4], $0x0  }
0x19: {  	s7 =	sld [smem:$0x3F9B]  }
0x1a: {  	s8 =	sadd.s32 $0xFFFFE003, lr  }
0x1b: {  	s9 =	sadd.s32 $0xFFFFFEF7, lr;
	s5 =	simm.s32 $0xFFFFFFFF;
	p2 =	slt.u32 s8, $0xFFFFF086  }
0x1c: {  	p1 =	slt.u32 s9, $0xF7A;
	s5 =	simm.s32 @!p2 $0x0  }
0x1d: {  	s5 =	simm.s32 @p1 $0x1;
	p0 =	seq.s32 s7, s2  }
0x1e: {  	s7 =	smul.u32 @!p0 $0xF7A, s2;
	p2 =	seq.s32 @!p0 s5, $0x0  }
0x1f: {  	s9 =	smul.u32 $0xF7A, s1;
	s8 =	simm.s32 @!p0 $0x1BF5;
	p2 =	por !p2, p0  }
0x20: {  	[sflag:s8] =	ssyncset.s32 @!p0 $0xFFFFF086;
	s6 =	sadd.s32 @!p0 s3, s7;
	s7 =	simm.s32 @!p0 $0x108  }
0x21: {  	s3 =	sadd.s32 s3, s9;
	s6 =	sadd.s32 @!p0 $0x88, s6;
	s7 =	simm.s32 @p2 $0x1082  }
0x22: {  	[simem:s7], [sflag:s8] =	dma.local @!p0 [hbm:s6], $0xF7A  }
0x23: {  	s9 =	sor.u32 $0xD0000000, s2;
	s6 =	simm.s32 $0x108;
	_ =	swait.ge @!p0 [sflag:s8], $0x0  }
0x24: {  	s3 =	sadd.s32 $0x88, s3;
	s6 =	simm.s32 @!p1 $0x1082;
	[sflag:s4] =	ssyncset.s32 $0xFFFFF086  }
0x25: {  	[simem:s6], [sflag:s4] =	dma.local [hbm:s3], $0xF7A  }
0x26: {  	[smem:$0x3F9B] =	sst s1;
	(tag) =	ssettag s2;
	_ =	strace s9  }
0x27: {  	s1 =	sld [smem:$0x3FAB]  }
0x28: {  	s2 =	sld [smem:$0x3FAC]  }
0x29: {  	s4 =	sld [smem:$0x3FAE]  }
0x2a: {  	p0 =	seq.s32 s5, $0x0;
	s5 =	sld [smem:$0x3FAF]  }
0x2b: {  	s6 =	sld [smem:$0x3FB0]  }
0x2c: {  	s7 =	sld [smem:$0x3FB1]  }
0x2d: {  	s3 =	simm.s32 $0x108;
	s8 =	sld [smem:$0x3FB2]  }
0x2e: {  	s3 =	simm.s32 @!p0 $0x1082;
	s9 =	sld [smem:$0x3FB3]  }
0x2f: {  	lr =	sadd.s32 s0, s3;
	s0 =	sld [smem:$0x3FAA]  }
0x30: {  	s3 =	sld [smem:$0x3FAD]  }
0x31: {  	[smem:$0x3FB6] =	sst s10  }
0x32: {  	s10 =	sld [smem:$0x3FB4];
	_ =	sdelay $0x3  }
0x33: {  	p0 =	seq.s32 s10, $0x1;
	s10 =	sld [smem:$0x3FB6];
	_ =	sdelay $0x3  }
0x34: {  	[smem:$0x3FB6] =	sst s10  }
0x35: {  	s10 =	sld [smem:$0x3FB5];
	_ =	sdelay $0x3  }
0x36: {  	p1 =	seq.s32 s10, $0x1;
	s10 =	sld [smem:$0x3FB6];
	_ =	sdelay $0x3  }
0x37: {  	[smem:$0x3FB6] =	sst s10  }
0x38: {  	s10 =	sld [smem:$0x3FB7]  }
0x39: {  	_ = 	snop;
	(pc) =	sbr.ind lr, $3  }
0x3a: {  	_ = 	snop  }
0x3b: {  	_ = 	snop  }
0x3c: {  	p2 =	seq.s32 s10, $0x1;
	s10 =	sld [smem:$0x3FB6]  }
0x3d: {  	_ =	shalt  }
0x3e: {  	_ =	shalt  }
0x3f: {  	_ =	shalt  }
0x40: {  	_ =	shalt  }
0x41: {  	_ =	shalt  }
0x42: {  	_ =	shalt  }
0x43: {  	_ =	shalt  }
0x44: {  	_ =	shalt  }
0x45: {  	_ =	shalt  }
0x46: {  	_ =	shalt  }
0x47: {  	_ =	shalt  }
0x48: {  	_ =	shalt  }
0x49: {  	_ =	shalt  }
0x4a: {  	_ =	shalt  }
0x4b: {  	_ =	shalt  }
0x4c: {  	_ =	shalt  }
0x4d: {  	_ =	shalt  }
0x4e: {  	_ =	shalt  }
0x4f: {  	_ =	shalt  }
0x50: {  	_ =	shalt  }
0x51: {  	_ =	shalt  }
0x52: {  	_ =	shalt  }
0x53: {  	_ =	shalt  }
0x54: {  	_ =	shalt  }
0x55: {  	_ =	shalt  }
0x56: {  	_ =	shalt  }
0x57: {  	_ =	shalt  }
0x58: {  	_ =	shalt  }
0x59: {  	_ =	shalt  }
0x5a: {  	_ =	shalt  }
0x5b: {  	_ =	shalt  }
0x5c: {  	_ =	shalt  }
0x5d: {  	_ =	shalt  }
0x5e: {  	_ =	shalt  }
0x5f: {  	_ =	shalt  }
0x60: {  	_ =	shalt  }
0x61: {  	_ =	shalt  }
0x62: {  	_ =	shalt  }
0x63: {  	_ =	shalt  }
0x64: {  	_ =	shalt  }
0x65: {  	_ =	shalt  }
0x66: {  	_ =	shalt  }
0x67: {  	_ =	shalt  }
0x68: {  	_ =	shalt  }
0x69: {  	_ =	shalt  }
0x6a: {  	_ =	shalt  }
0x6b: {  	_ =	shalt  }
0x6c: {  	_ =	shalt  }
0x6d: {  	_ =	shalt  }
0x6e: {  	_ =	shalt  }
0x6f: {  	_ =	shalt  }
0x70: {  	_ =	shalt  }
0x71: {  	_ =	shalt  }
0x72: {  	_ =	shalt  }
0x73: {  	_ =	shalt  }
0x74: {  	_ =	shalt  }
0x75: {  	_ =	shalt  }
0x76: {  	_ =	shalt  }
0x77: {  	_ =	shalt  }
0x78: {  	_ =	shalt  }
0x79: {  	_ =	shalt  }
0x7a: {  	_ =	shalt  }
0x7b: {  	_ =	shalt  }
0x7c: {  	_ =	shalt  }
0x7d: {  	_ =	shalt  }
0x7e: {  	_ =	shalt  }
0x7f: {  	_ =	shalt  }
0x80: {  	_ =	shalt  }
0x81: {  	_ =	shalt  }
0x82: {  	_ =	shalt  }
0x83: {  	_ =	shalt  }
0x84: {  	_ =	shalt  }
0x85: {  	_ =	shalt  }
0x86: {  	_ =	shalt  }
0x87: {  	_ =	shalt  }
.Lfunc_end0:
.L_simem_size_0:
called_computation_lowered:
.L_overlay_start_0:
0x88: {  	s2 =	sld [smem:$0x3FD9]  }
0x89: {  	s3 =	sld [smem:$0x3FFE];
	_ =	sdelay $0x1  }
0x8a: {  	s1 =	srdreg.scid  }
0x8b: {  	s0 =	sand.u32 $0x1, s1  }
0x8c: {  	s17 =	sshll.u32 s0, $0xA;
	s2 =	sadd.s32 s3, s2  }
0x8d: {  	s2 =	sadd.s32 s2, s17  }
0x8e: {  	[smem:$0x3FC2] =	sst s2  }
0x8f: {  	_ = 	snop  }
0x90: {  	s2 =	sld [smem:$0x3FC8]  }
0x91: {  	s18 =	sld [smem:$0x3FC7]  }
0x92: {  	s4 =	sld [smem:$0x3FC6]  }
0x93: {  	s5 =	sld [smem:$0x3FC5]  }
0x94: {  	s6 =	sld [smem:$0x3FC4]  }
0x95: {  	s7 =	sld [smem:$0x3FD0];
	(tm) =	ssettm $0x1  }
0x96: {  	s8 =	sld [smem:$0x3FFB];
	_ =	sdelay $0x3  }
0x97: {  	_ =	strace s8  }
0x98: {  	s8 =	sld [smem:$0x3FFC];
	_ =	sdelay $0x3  }
0x99: {  	_ =	strace s8  }
0x9a: {  	s8 =	sld [smem:$0x3FFD];
	_ =	sdelay $0x3  }
0x9b: {  	_ =	strace s8  }
0x9c: {  	_ =	strace $0x8FFFFFFF  }
0x9d: {  	s19 =	sld [smem:$0x3FDB];
	_ =	sdelay $0x1  }
0x9e: {  	s9 =	simm.s32 $_scs_section_size  }
0x9f: {  	s10 =	simm.s32 $_size__tile_overlayer_lowered;
	s11 =	simm.s32 $_tile_overlayer_lowered  }
0xa0: {  	s22 =	simm.s32 $0x1BFF;
	s21 =	sshll.u32 s11, $0x1;
	s8 =	sadd.s32 s9, s19  }
0xa1: {  	s12 =	simm.s32 $0x0;
	s20 =	sshll.u32 s10, $0x1;
	s10 =	sadd.s32 s21, s8  }
0xa2: {  	[timem:s12], [sflag:s22] =	dma.local [hbm:s10], s20  }
0xa3: {  	_ =	swait.ge [sflag:s22], s20  }
0xa4: {  	s9 =	ssub.s32 $0x0, s20;
	[sflag:s22] =	ssyncset.done $0x0  }
0xa5: {  	[sflag:s22] =	ssyncadd.s32 s9;
	_ =	sdelay $0x1  }
0xa6: {  	s23 =	simm.s32 $0x1B8B  }
0xa7: {  	_ =	swait.ge [sflag:s23], $0x1  }
0xa8: {  	[sflag:s23] =	ssyncset.done $0x0  }
0xa9: {  	s25 =	simm.s32 $0x1B8E;
	s24 =	sld [smem:$0x3FFE];
	[sflag:s23] =	ssyncadd.s32 $0xFFFFFFFF  }
0xaa: {  	s26 =	simm.s32 $execute0_lowered;
	[smem:$0x3FD2] =	sst s25  }
0xab: {  	s10 =	sshll.u32 s26, $0x1;
	_ =	strace $0x80000046;
	[dreg:$0x1] =	wrdreg $0xFFFFFFFF  }
0xac: {  	s28 =	simm.s32 $_size_execute0_lowered;
	s8 =	sadd.s32 s8, s10;
	[dreg:$0x0] =	wrdreg $0x0  }
0xad: {  	s10 =	sshll.u32 s28, $0x1;
	[dreg:$0x2] =	wrdreg s8  }
0xae: {  	[dreg:$0x3] =	wrdreg s10  }
0xaf: {  	[dreg:$0x4] =	wrdreg $0xC0  }
0xb0: {  	_ =	task [dreg:s12], $0x5FFFF  }
0xb1: {  	[dreg:$0x1] =	wrdreg $0xFFFFFFFF  }
0xb2: {  	[dreg:$0x0] =	wrdreg $0x60  }
0xb3: {  	[dreg:$0x2] =	wrdreg s24  }
0xb4: {  	[dreg:$0x3] =	wrdreg s2  }
0xb5: {  	[dreg:$0x4] =	wrdreg s18  }
0xb6: {  	[dreg:$0x5] =	wrdreg s4  }
0xb7: {  	[dreg:$0x6] =	wrdreg s5  }
0xb8: {  	[dreg:$0x7] =	wrdreg s6  }
0xb9: {  	[dreg:$0x8] =	wrdreg s7  }
0xba: {  	[dreg:$0x9] =	wrdreg $0x9  }
0xbb: {  	_ =	task.clear_ibuf [dreg:s12], $0xAFFFF;
	_ =	strace $0x90000046  }
0xbc: {  	s29 =	simm.s32 $0x9;
	_ =	strace $0x80000048  }
0xbd: {  	_ =	swait.ge [sflag:s29], $0x1  }
0xbe: {  	[sflag:s29] =	ssyncadd.s32 $0xFFFFFFFF  }
0xbf: {  	_ =	strace $0x90000048  }
0xc0: {  	_ =	sfence  }
0xc1: {  	s30 =	sld [smem:$0x0];
	_ =	sdelay $0x2  }
0xc2: {  	s31 =	sshll.u32 s1, $0xD;
	s1 =	sshrl.u32 s1, $0x2  }
0xc3: {  	s3 =	sand.u32 $0x4000, s31;
	s1 =	sadd.s32 s1, s30  }
0xc4: {  	s0 =	sor.u32 s3, s0;
	s1 =	sshll.u32 s1, $0x11  }
0xc5: {  	s0 =	sor.u32 s1, s0  }
0xc6: {  	s0 =	sadd.s32 $0x8F2B, s0  }
0xc7: {  	[sflag:s0] =	ssyncadd.remote.s32 $0x1  }
0xc8: {  	_ =	sfence.sel $0xFFFF  }
0xc9: {  	[dreg:$0x0] =	wrdreg $0xFFFFFFFF;
	(pc) =	sbr.abs _section_cstart, $3  }
0xca: {  	[dreg:$0x1] =	wrdreg $0xFFFFFFFF  }
0xcb: {  	_ =	task.clear_ibuf [dreg:s12], $0x2FFFF;
	_ =	strace $0x9FFFFFFF  }
0xcc: {  	(tm) =	ssettm $0x7FFFFFFF  }
0xcd: {  	_ =	shalt  }
tec
execute0_lowered:
.L_overlay_start_1:
0x0: {  	(tag) =	ssettag $0x1  }
0x1: {  	s0 =	rddreg [dreg:$0x0]  }
0x2: {  	s1 =	rddreg [dreg:$0x1];
	s2 =	srdreg.scid  }
0x3: {  	s3 =	stileid.u32;
	s7 =	rddreg [dreg:$0x6]  }
0x4: {  	s8 =	simm.s32 $0x0;
	s2 =	sand.u32 $0x1, s2;
	s3 =	sshll.u32 s3, $0x1  }
0x5: {  	s17 =	simm.s32 $0x1900;
	s3 =	sor.u32 s2, s3;
	s2 =	ssub.s32 $0x2, s2  }
0x6: {  	s19 =	simm.s32 $0x5900;
	s4 =	smul.u32 $0x320, s3;
	s30 =	sshrl.u32 s2, $0x1  }
0x7: {  	s20 =	simm.s32 $0x1;
	s21 =	simm.s32 $0x2;
	s2 =	ssub.s32 s2, s30  }
0x8: {  	[smem:$0x7FF] =	sst s8;
	s0 =	sadd.s32 s4, s0;
	s31 =	smax.u32 s2, $0x1  }
0x9: {  	_ =	strace $0x80000047;
	s0 =	sadd.s32 $0x400, s0;
	[dreg:$0x9] =	wrdreg s31  }
0xa: {  	v0 =	vimm.f32 $1.000000000e+00;
	s10 =	smul.u32 $0xC8000, s3;
	s3 =	simm.s32 $0x0;
	[dreg:$0x8] =	wrdreg s0  }
.LBB2_1:
0xb: {  	[dreg:$0xa] =	wrdreg s3  }
0xc: {  	s0 =	rddreg [dreg:$0x8];
	s2 =	simm.s32 $0x5  }
0xd: {  	[tilespmem:s8], [sflag:$0x5] =	stream.linear.gather [hbm4b:s0+s8], $0x1900, $0x38;
	[tilespmem:$0xFE80] =	vst v63  }
0xe: {  	_ =	swait.ge [sflag:s2], $0x1900  }
0xf: {  	[sflag:s2] =	ssyncset.done $0x0  }
0x10: {  	[sflag:s2] =	ssyncadd.s32 $0xFFFFE700  }
0x11: {  	s24 =	simm.s32 $0x9900;
	s23 =	rddreg [dreg:$0x2]  }
0x12: {  	[tilespmem:s24], [sflag:$0x5] =	stream.linear.gather [hbm4b:s23+s8], $0x6400, $0x38;
	[tilespmem:$0xFE80] =	vst v63  }
0x13: {  	_ =	swait.ge [sflag:s2], $0x6400  }
0x14: {  	[sflag:s2] =	ssyncset.done $0x0  }
0x15: {  	[sflag:s2] =	ssyncadd.s32 $0xFFFF9C00  }
0x16: {  	s26 =	simm.s32 $0xFD00;
	s25 =	rddreg [dreg:$0x3]  }
0x17: {  	[tilespmem:s26], [sflag:$0x5] =	stream.linear.gather [hbm4b:s25+s8], $0x80, $0x38;
	[tilespmem:$0xFE80] =	vst v63  }
0x18: {  	_ =	swait.ge [sflag:s2], $0x80  }
0x19: {  	[sflag:s2] =	ssyncset.done $0x0  }
0x1a: {  	[sflag:s2] =	ssyncadd.s32 $0xFFFFFF80  }
0x1b: {  	s29 =	simm.s32 $0xFD80;
	s28 =	rddreg [dreg:$0x4]  }
0x1c: {  	[tilespmem:s29], [sflag:$0x5] =	stream.linear.gather [hbm4b:s28+s8], $0x80, $0x38;
	[tilespmem:$0xFE80] =	vst v63  }
0x1d: {  	_ =	swait.ge [sflag:s2], $0x80  }
0x1e: {  	[sflag:s2] =	ssyncset.done $0x0  }
0x1f: {  	[sflag:s2] =	ssyncadd.s32 $0xFFFFFF80  }
0x20: {  	s31 =	simm.s32 $0xFE00;
	s30 =	rddreg [dreg:$0x5]  }
0x21: {  	[tilespmem:s31], [sflag:$0x5] =	stream.linear.gather [hbm4b:s30+s8], $0x80, $0x38;
	[tilespmem:$0xFE80] =	vst v63  }
0x22: {  	_ =	swait.ge [sflag:s2], $0x80  }
0x23: {  	[sflag:s2] =	ssyncset.done $0x0  }
0x24: {  	[sflag:s2] =	ssyncadd.s32 $0xFFFFFF80  }
0x25: {  	v23 =	vld [tilespmem:$0xFD00]  }
0x26: {  	v24 =	vld [tilespmem:$0xFD10]  }
0x27: {  	v22 =	vld [tilespmem:$0xFD20]  }
0x28: {  	v21 =	vld [tilespmem:$0xFD30]  }
0x29: {  	v20 =	vld [tilespmem:$0xFD40]  }
0x2a: {  	v19 =	vld [tilespmem:$0xFD50]  }
0x2b: {  	v18 =	vld [tilespmem:$0xFD60]  }
0x2c: {  	v17 =	vld [tilespmem:$0xFD70]  }
0x2d: {  	v1 =	vld [tilespmem:$0xFD80]  }
0x2e: {  	v2 =	vld [tilespmem:$0xFD90]  }
0x2f: {  	v3 =	vld [tilespmem:$0xFDA0]  }
0x30: {  	v4 =	vld [tilespmem:$0xFDB0]  }
0x31: {  	v5 =	vld [tilespmem:$0xFDC0]  }
0x32: {  	v6 =	vld [tilespmem:$0xFDD0]  }
0x33: {  	v7 =	vld [tilespmem:$0xFDE0]  }
0x34: {  	v8 =	vld [tilespmem:$0xFDF0]  }
0x35: {  	v9 =	vld [tilespmem:$0xFE00]  }
0x36: {  	v10 =	vld [tilespmem:$0xFE10]  }
0x37: {  	v11 =	vld [tilespmem:$0xFE20]  }
0x38: {  	v12 =	vld [tilespmem:$0xFE30]  }
0x39: {  	v13 =	vld [tilespmem:$0xFE40]  }
0x3a: {  	v14 =	vld [tilespmem:$0xFE50]  }
0x3b: {  	v15 =	vld [tilespmem:$0xFE60]  }
0x3c: {  	s0 =	simm.s32 $0x0;
	v16 =	vld [tilespmem:$0xFE70]  }
0x3d: {  	v28 =	vld [tilespmem:s0+$0x9900]  }
0x3e: {  	v30 =	vld [tilespmem:s0+$0x9910]  }
0x3f: {  	v29 =	vld [tilespmem:s0+$0x9920]  }
0x40: {  	v27 =	vld [tilespmem:s0+$0x9930]  }
0x41: {  	v25 =	vld [tilespmem:s0+$0x9940]  }
0x42: {  	v26 =	vld [tilespmem:s0+$0x9950];
	v31 =	vadd.f32 v28, v23  }
0x43: {  	s2 =	simm.s32 $0x200;
	v30 =	vadd.f32 v30, v24;
	v28 =	vld [tilespmem:s0+$0x9960]  }
.LBB2_2:
0x44: {  	s3 =	sshra.s32 s2, $0x2;
	p0 =	sne.s32 s2, $0x18E00;
	[tilespmem:s0+$0x9900] =	vst v31;
	v29 =	vadd.f32 v29, v22;
	v31 =	vld [tilespmem:s0+$0x9970]  }
0x45: {  	v32 =	vld [tilespmem:s3+$0x9900];
	[tilespmem:s0+$0x9910] =	vst v30;
	v27 =	vadd.f32 v27, v21  }
0x46: {  	v30 =	vld [tilespmem:s3+$0x9910];
	[tilespmem:s0+$0x9920] =	vst v29;
	v25 =	vadd.f32 v25, v20  }
.Ltmp0:
0x47: {  	v29 =	vld [tilespmem:s3+$0x9920];
	[tilespmem:s0+$0x9930] =	vst v27;
	v26 =	vadd.f32 v26, v19;
	(pc) =	sbr.rel @p0 .LBB2_2-.Ltmp0, $4  }
0x48: {  	v27 =	vld [tilespmem:s3+$0x9930];
	[tilespmem:s0+$0x9940] =	vst v25;
	v28 =	vadd.f32 v28, v18  }
0x49: {  	v25 =	vld [tilespmem:s3+$0x9940];
	[tilespmem:s0+$0x9950] =	vst v26;
	v33 =	vadd.f32 v31, v17  }
0x4a: {  	v31 =	vadd.f32 v32, v23;
	v26 =	vld [tilespmem:s3+$0x9950];
	[tilespmem:s0+$0x9960] =	vst v28  }
0x4b: {  	s2 =	sadd.s32 $0x200, s2;
	v30 =	vadd.f32 v30, v24;
	v28 =	vld [tilespmem:s3+$0x9960];
	[tilespmem:s0+$0x9970] =	vst v33;
	s0 =	smov.u32 s3  }
0x4c: {  	[tilespmem:s0+$0x9900] =	vst v31;
	v22 =	vadd.f32 v29, v22;
	v23 =	vld [tilespmem:s0+$0x9970]  }
0x4d: {  	[tilespmem:s0+$0x9910] =	vst v30;
	v21 =	vadd.f32 v27, v21  }
0x4e: {  	[tilespmem:s0+$0x9920] =	vst v22;
	v20 =	vadd.f32 v25, v20  }
0x4f: {  	[tilespmem:s0+$0x9930] =	vst v21;
	v19 =	vadd.f32 v26, v19  }
0x50: {  	[tilespmem:s0+$0x9940] =	vst v20;
	v18 =	vadd.f32 v28, v18  }
0x51: {  	[tilespmem:s0+$0x9950] =	vst v19;
	v17 =	vadd.f32 v23, v17  }
0x52: {  	s25 =	simm.s32 $0x80;
	s26 =	simm.s32 $0x0;
	[tilespmem:s0+$0x9960] =	vst v18  }
0x53: {  	s28 =	simm.s32 $0x9900;
	s29 =	simm.s32 $0xD970;
	s30 =	simm.s32 $0x0;
	[tilespmem:s0+$0x9970] =	vst v17  }
0x54: {  	[tilespmem:s17], [sflag:$0x1] =	stream.indirect.gather [hbm4b:s1+s25], $0x80, s26, s25, $0xb8;
	[tilespmem:$0xFE80] =	vst v63  }
.LBB2_4:
0x55: {  	p0 =	seq.s32 s30, $0x0  }
0x56: {  	s0 =	simm.s32 @!p0 $0x4  }
0x57: {  	s31 =	sshllo.u32 s30, $0x1;
	_ =	swait.ge @!p0 [sflag:s0], $0x4000  }
0x58: {  	s2 =	sshll.u32 s31, $0x7;
	[sflag:s0] =	ssyncset.done @!p0 $0x0  }
0x59: {  	s15 =	simm.s32 $0x80;
	s14 =	sand.u32 $0x3FFFFF80, s2;
	[sflag:s0] =	ssyncadd.s32 @!p0 $0xFFFFC000  }
0x5a: {  	[tilespmem:s19], [sflag:$0x2] =	stream.indirect.gather [hbm4b:s1+s15], $0x80, s14, s15, $0xb8;
	[tilespmem:$0xFE80] =	vst v63  }
0x5b: {  	_ =	swait.ge [sflag:s20], $0x4000  }
0x5c: {  	[sflag:s20] =	ssyncset.done $0x0  }
0x5d: {  	s5 =	simm.s32 $0x1940;
	s16 =	sadd.s32 $0x0, s26;
	[sflag:s20] =	ssyncadd.s32 $0xFFFFC000  }
0x5e: {  	v17 =	vmov s16;
	v18 =	vld [tilespmem:s5+$0xFFFFFFC0]  }
0x5f: {  	v19 =	vld [tilespmem:s5+$0xFFFFFFD0]  }
0x60: {  	s18 =	smulhi.u32 $0x51EB851F, s26;
	v20 =	vld [tilespmem:s5+$0xFFFFFFE0]  }
0x61: {  	v21 =	vld [tilespmem:s5+$0xFFFFFFF0]  }
0x62: {  	s0 =	sshrl.u32 s18, $0x6;
	v22 =	vld [tilespmem:s5+$0x0]  }
0x63: {  	s0 =	smul.u32 $0xFFFE7000, s0;
	v17 =	vld.idx.msk [tilespmem:v17+s8+$0x0], $0xffff  }
0x64: {  	v23 =	vld [tilespmem:s5+$0x10]  }
0x65: {  	s0 =	sshra.s32 s0, $0x2;
	v24 =	vld [tilespmem:s5+$0x20]  }
0x66: {  	s0 =	sadd.s32 s0, s28;
	v25 =	vld [tilespmem:s5+$0x30]  }
0x67: {  	v26 =	vld [tilespmem:s0+$0x0]  }
0x68: {  	v27 =	vld [tilespmem:s0+$0x10]  }
0x69: {  	v28 =	vld [tilespmem:s0+$0x20]  }
0x6a: {  	v29 =	vld [tilespmem:s0+$0x30]  }
0x6b: {  	v31 =	vld [tilespmem:s0+$0x50];
	vm0 =	veq.s32 v17, $0x0  }
0x6c: {  	v17 =	vld [tilespmem:s0+$0x40];
	v30 =	vsel vm0, $0x0, v0  }
0x6d: {  	s3 =	sadd.s32 $0x1, s26;
	v32 =	vld [tilespmem:s0+$0x60];
	v18 =	vmul.f32 v30, v18;
	v19 =	vmul.f32 v19, v30  }
0x6e: {  	s23 =	smulhi.u32 $0x51EB851F, s3;
	v20 =	vmul.f32 v20, v30;
	v21 =	vmul.f32 v21, v30  }
0x6f: {  	v33 =	vld [tilespmem:s0+$0x70];
	v22 =	vmul.f32 v22, v30;
	v47 =	vadd.f32 v18, v26;
	v46 =	vadd.f32 v27, v19  }
0x70: {  	s2 =	sshrl.u32 s23, $0x6;
	v18 =	vmul.f32 v23, v30;
	v45 =	vadd.f32 v28, v20;
	v19 =	vmul.f32 v24, v30  }
0x71: {  	s2 =	smul.u32 $0xFFFE7000, s2;
	v43 =	vadd.f32 v29, v21;
	v44 =	vadd.f32 v17, v22;
	v17 =	vmul.f32 v25, v30  }
0x72: {  	v42 =	vadd.f32 v31, v18;
	v41 =	vadd.f32 v32, v19;
	v18 =	vmul.f32 v47, v47  }
0x73: {  	s4 =	sadd.s32 $0x80, s28;
	s2 =	sshra.s32 s2, $0x2;
	v19 =	vmul.f32 v46, v46;
	v20 =	vadd.f32 v46, v47;
	v21 =	vmul.f32 v43, v43  }
0x74: {  	s2 =	sadd.s32 s2, s4;
	v22 =	vadd.f32 v43, v45;
	v38 =	vadd.f32 v33, v17;
	v17 =	vmul.f32 v45, v45  }
0x75: {  	v55 =	vld [tilespmem:s2+$0x60];
	s0 =	simm.s32 $0x19C0;
	v24 =	vmul.f32 v44, v44;
	v23 =	vadd.f32 v42, v44;
	v27 =	vmul.f32 v42, v42  }
0x76: {  	s22 =	sadd.s32 $0x1, s26;
	v29 =	vld [tilespmem:s0+$0xFFFFFFC0];
	v28 =	vmul.f32 v41, v41;
	v18 =	vadd.f32 v19, v18;
	v30 =	vmul.f32 v38, v38  }
0x77: {  	v26 =	vmov s22;
	v31 =	vld [tilespmem:s2+$0x50];
	v25 =	vadd.f32 v38, v41;
	v17 =	vadd.f32 v21, v17  }
0x78: {  	v19 =	vld [tilespmem:s0+$0xFFFFFFE0];
	v21 =	vadd.f32 v27, v24;
	v24 =	vadd.f32 v30, v28  }
0x79: {  	v20 =	vadd.f32 v22, v20;
	v27 =	vld [tilespmem:s2+$0x20];
	v22 =	vadd.f32 v25, v23  }
0x7a: {  	v23 =	vld [tilespmem:s0+$0xFFFFFFD0];
	v17 =	vadd.f32 v17, v18;
	v18 =	vadd.f32 v24, v21  }
0x7b: {  	v25 =	vld [tilespmem:s0+$0xFFFFFFF0];
	v20 =	vadd.f32 v22, v20  }
0x7c: {  	v21 =	vld.idx.msk [tilespmem:v26+s8+$0x0], $0xffff;
	v17 =	vadd.f32 v18, v17  }
0x7d: {  	v30 =	vld [tilespmem:s2+$0x40];
	(xrf2) =	vadd.scan.msk.f32 $0xffff, v20  }
0x7e: {  	v22 =	vld [tilespmem:s0+$0x0];
	(xrf2) =	vadd.scan.msk.f32 $0xffff, v17  }
0x7f: {  	v24 =	vld [tilespmem:s0+$0x10]  }
0x80: {  	v17 =	vld [tilespmem:s2+$0x0]  }
0x81: {  	v18 =	vld [tilespmem:s2+$0x10];
	vm0 =	veq.s32 v21, $0x0  }
0x82: {  	v20 =	vld [tilespmem:s0+$0x20];
	v28 =	vsel vm0, $0x0, v0  }
0x83: {  	v21 =	vld [tilespmem:s2+$0x30];
	v29 =	vmul.f32 v28, v29  }
0x84: {  	v26 =	vld [tilespmem:s0+$0x30];
	v23 =	vmul.f32 v23, v28;
	v19 =	vmul.f32 v19, v28  }
0x85: {  	v22 =	vmul.f32 v22, v28;
	v24 =	vmul.f32 v24, v28;
	v17 =	vadd.f32 v29, v17  }
0x86: {  	v25 =	vmul.f32 v25, v28;
	v18 =	vadd.f32 v18, v23;
	v19 =	vadd.f32 v27, v19  }
0x87: {  	s9 =	sadd.s32 $0x1, s3;
	v29 =	vld [tilespmem:s2+$0x70];
	v27 =	vmul.f32 v20, v28;
	v23 =	vadd.f32 v30, v22;
	v30 =	vadd.f32 v31, v24;
	v56, _, _ =	vpop (xrf2)  }
0x88: {  	s3 =	smulhi.u32 $0x51EB851F, s9;
	v20 =	vadd.f32 v21, v25;
	(v2sf) =	vpush v56, $0xF;
	v21, _, _ =	vpop (xrf2)  }
0x89: {  	v22 =	vmul.f32 v26, v28;
	v31 =	vadd.f32 v55, v27;
	(v2sf) =	vpush v21, $0xF  }
0x8a: {  	s3 =	sshrl.u32 s3, $0x6;
	v24 =	vmul.f32 v18, v18;
	v25 =	vmul.f32 v19, v19;
	v26 =	vadd.f32 v18, v17  }
0x8b: {  	s3 =	smul.u32 $0xFFFE7000, s3;
	v57 =	vmul.f32 v23, v23;
	v34 =	vmul.f32 v30, v30;
	v28 =	vadd.f32 v20, v19  }
0x8c: {  	v27 =	vmul.f32 v20, v20;
	v22 =	vadd.f32 v29, v22;
	v21 =	vmul.f32 v17, v17  }
0x8d: {  	s24 =	sadd.s32 $0x80, s4;
	s3 =	sshra.s32 s3, $0x2;
	v35 =	vmul.f32 v31, v31;
	v29 =	vadd.f32 v30, v23;
	v26 =	vadd.f32 v28, v26  }
0x8e: {  	s3 =	sadd.s32 s3, s24;
	v58 =	vadd.f32 v22, v31;
	v36 =	vmul.f32 v22, v22;
	v21 =	vadd.f32 v24, v21  }
0x8f: {  	v63 =	vld [tilespmem:s3+$0x10];
	v24 =	vadd.f32 v27, v25;
	v27 =	vadd.f32 v34, v57  }
0x90: {  	s6 =	sadd.s32 $0x2, s26;
	v54 =	vld [tilespmem:s3+$0x20];
	v28 =	vadd.f32 v58, v29;
	v60 =	vadd.f32 v36, v35  }
0x91: {  	v40 =	vld [tilespmem:s3+$0x50];
	v29 =	vmov s6;
	v21 =	vadd.f32 v24, v21  }
0x92: {  	v49 =	vld [tilespmem:s3+$0x60];
	s2 =	simm.s32 $0x1A40;
	v26 =	vadd.f32 v28, v26;
	v24 =	vadd.f32 v60, v27  }
0x93: {  	v59 =	vld [tilespmem:s2+$0xFFFFFFC0]  }
0x94: {  	v61 =	vld [tilespmem:s2+$0xFFFFFFE0];
	(xrf2) =	vadd.scan.msk.f32 $0xffff, v26;
	v21 =	vadd.f32 v24, v21  }
0x95: {  	v25 =	vld [tilespmem:s2+$0xFFFFFFD0]  }
0x96: {  	v29 =	vld.idx.msk [tilespmem:v29+s8+$0x0], $0xffff;
	(xrf2) =	vadd.scan.msk.f32 $0xffff, v21  }
0x97: {  	v28 =	vld [tilespmem:s2+$0xFFFFFFF0];
	s11 =	spop (v2sf)  }
0x98: {  	v27 =	vld [tilespmem:s2+$0x0];
	s4 =	smul.f32 $7.812500000e-03, s11;
	s11 =	spop (v2sf)  }
0x99: {  	v24 =	vld [tilespmem:s2+$0x10];
	s11 =	smul.f32 $7.812500000e-03, s11  }
0x9a: {  	v26 =	vld [tilespmem:s2+$0x20];
	s13 =	smul.f32 s4, s4  }
0x9b: {  	v21 =	vld [tilespmem:s3+$0x0];
	vm0 =	veq.s32 v29, $0x0  }
0x9c: {  	v62 =	vld [tilespmem:s2+$0x30];
	v37 =	vsel vm0, $0x0, v0;
	s11 =	ssub.f32 s11, s13  }
0x9d: {  	v29 =	vld [tilespmem:s3+$0x30];
	v33 =	vmul.f32 v37, v59;
	v48 =	vmul.f32 v25, v37  }
0x9e: {  	v51 =	vld [tilespmem:s3+$0x70];
	v34 =	vmul.f32 v61, v37;
	v28 =	vmul.f32 v28, v37;
	v25, _, _ =	vpop (xrf2);
	s11 =	sadd.f32 $9.999999960e-13, s11  }
0x9f: {  	v39 =	vld [tilespmem:s3+$0x40];
	v50 =	vmul.f32 v27, v37;
	v55 =	vmul.f32 v24, v37;
	(v2sf) =	vpush v25, $0xF  }
0xa0: {  	v56 =	vmul.f32 v26, v37;
	v27 =	vadd.f32 v54, v34;
	v25 =	vadd.f32 v33, v21;
	v24, _, _ =	vpop (xrf2);
	s12 =	smul.f32 $5.000000000e-01, s11;
	s15 =	sshra.s32 s11, $0x1  }
0xa1: {  	s16 =	sadd.s32 $0x3, s26;
	v32 =	vmul.f32 v62, v37;
	v21 =	vadd.f32 v63, v48;
	(v2sf) =	vpush v24, $0xF;
	s14 =	ssub.s32 $0x5F3759DF, s15  }
0xa2: {  	v62 =	vmov s16;
	v26 =	vadd.f32 v29, v28;
	v28 =	vadd.f32 v40, v55;
	s3 =	smul.f32 s14, s12  }
0xa3: {  	v29 =	vadd.f32 v49, v56;
	v33 =	vadd.f32 v51, v32  }
0xa4: {  	v57 =	vmul.f32 v27, v27;
	v24 =	vadd.f32 v39, v50;
	v34 =	vmul.f32 v25, v25;
	s3 =	smul.f32 s14, s3  }
0xa5: {  	v35 =	vmul.f32 v21, v21;
	v58 =	vadd.f32 v21, v25;
	v59 =	vmul.f32 v26, v26  }
0xa6: {  	v60 =	vadd.f32 v26, v27;
	v49 =	vadd.f32 v33, v29;
	v63 =	vmul.f32 v28, v28;
	s11 =	sadd.s32 $0x1, s9;
	s15 =	ssub.f32 $1.500000000e+00, s3  }
0xa7: {  	v52 =	vmul.f32 v29, v29;
	v54 =	vmul.f32 v33, v33;
	v62 =	vld.idx.msk [tilespmem:v62+s8+$0x0], $0xffff;
	v40 =	vadd.f32 v28, v24;
	s9 =	smulhi.u32 $0x51EB851F, s11;
	s3 =	simm.s32 $0x1AC0  }
0xa8: {  	v61 =	vmul.f32 v24, v24;
	v36 =	vadd.f32 v60, v58;
	v34 =	vadd.f32 v35, v34;
	v53 =	vld [tilespmem:s3+$0xFFFFFFC0];
	s14 =	smul.f32 s14, s15  }
0xa9: {  	v32 =	vadd.f32 v59, v57;
	v55 =	vadd.f32 v49, v40;
	v40 =	vld [tilespmem:s3+$0xFFFFFFD0]  }
0xaa: {  	v57 =	vadd.f32 v54, v52;
	v56 =	vadd.f32 v63, v61;
	s9 =	sshrl.u32 s9, $0x6;
	v35 =	vld [tilespmem:s3+$0xFFFFFFE0];
	s15 =	smul.f32 s14, s12  }
0xab: {  	v36 =	vadd.f32 v55, v36;
	s9 =	smul.u32 $0xFFFE7000, s9;
	v58 =	vld [tilespmem:s3+$0xFFFFFFF0]  }
0xac: {  	v32 =	vadd.f32 v32, v34;
	v61 =	vadd.f32 v57, v56;
	v59 =	vld [tilespmem:s3+$0x0];
	s15 =	smul.f32 s15, s14  }
0xad: {  	(xrf2) =	vadd.scan.msk.f32 $0xffff, v36;
	s22 =	sshra.s32 s9, $0x2;
	v48 =	vld [tilespmem:s3+$0x10]  }
0xae: {  	v32 =	vadd.f32 v61, v32;
	s9 =	sadd.s32 $0x80, s24;
	v50 =	vld [tilespmem:s3+$0x20];
	s16 =	spop (v2sf);
	s15 =	ssub.f32 $1.500000000e+00, s15  }
0xaf: {  	s18 =	sadd.s32 s22, s9;
	v51 =	vld [tilespmem:s3+$0x30];
	s6 =	smul.f32 $7.812500000e-03, s16  }
0xb0: {  	(xrf2) =	vadd.scan.msk.f32 $0xffff, v32;
	v32 =	vld [tilespmem:s18+$0x0];
	s23 =	spop (v2sf);
	s14 =	smul.f32 s15, s14  }
0xb1: {  	v63 =	vld [tilespmem:s18+$0x10];
	s24 =	smul.f32 $7.812500000e-03, s23  }
0xb2: {  	v37 =	vld [tilespmem:s18+$0x20];
	s13 =	smul.f32 s14, s12  }
0xb3: {  	vm0 =	veq.s32 v62, $0x0;
	v60 =	vld [tilespmem:s18+$0x30];
	s12 =	smul.f32 s6, s6  }
0xb4: {  	v52 =	vsel vm0, $0x0, v0;
	v62 =	vld [tilespmem:s18+$0x40];
	s13 =	smul.f32 s13, s14  }
0xb5: {  	v56 =	vld [tilespmem:s18+$0x60];
	v61 =	vmul.f32 v52, v53;
	v40 =	vmul.f32 v40, v52;
	s15 =	ssub.f32 s24, s12  }
0xb6: {  	v35 =	vmul.f32 v35, v52;
	v49 =	vmul.f32 v58, v52;
	s13 =	ssub.f32 $1.500000000e+00, s13  }
0xb7: {  	v39 =	vmul.f32 v59, v52;
	v36 =	vadd.f32 v61, v32;
	v34 =	vadd.f32 v63, v40;
	v57, _, _ =	vpop (xrf2);
	s15 =	sadd.f32 $9.999999960e-13, s15  }
0xb8: {  	s4 =	ssub.f32 $0.0e+00, s4;
	v58 =	vld [tilespmem:s18+$0x70];
	v50 =	vmul.f32 v50, v52;
	v32 =	vadd.f32 v37, v35;
	(v2sf) =	vpush v57, $0xF;
	s14 =	smul.f32 s13, s14  }
0xb9: {  	v55 =	vld [tilespmem:s18+$0x50];
	v63 =	vmul.f32 v48, v52;
	v37 =	vadd.f32 v60, v49;
	v35 =	vadd.f32 v62, v39;
	s16 =	smul.f32 $5.000000000e-01, s15;
	s18 =	sshra.s32 s15, $0x1  }
0xba: {  	v61 =	vmul.f32 v51, v52;
	v39 =	vadd.f32 v56, v50;
	v50 =	vmul.f32 v36, v36;
	s15 =	ssub.s32 $0x5F3759DF, s18;
	s22 =	smul.f32 s14, s4  }
0xbb: {  	v51 =	vmul.f32 v34, v34;
	v53 =	vadd.f32 v34, v36;
	v59, _, _ =	vpop (xrf2);
	v60 =	vmul.f32 s14, v38;
	s23 =	smul.f32 s15, s16  }
0xbc: {  	v52 =	vmul.f32 v32, v32;
	v54 =	vadd.f32 v37, v32;
	(v2sf) =	vpush v59, $0xF  }
0xbd: {  	v56 =	vmul.f32 v35, v35;
	v40 =	vadd.f32 v58, v61;
	v49 =	vadd.f32 s22, v60;
	s4 =	smul.f32 s15, s23  }
0xbe: {  	v61 =	vmul.f32 v39, v39;
	v53 =	vadd.f32 v54, v53;
	v38 =	vadd.f32 v55, v63  }
0xbf: {  	v50 =	vadd.f32 v51, v50;
	v57 =	vadd.f32 v40, v39;
	s24 =	sadd.s32 $0x4, s26;
	v62 =	vmul.f32 v49, v8;
	s23 =	ssub.f32 $1.500000000e+00, s4  }
0xc0: {  	v59 =	vmov s24;
	v55 =	vadd.f32 v38, v35;
	v49 =	vmul.f32 v37, v37;
	s4 =	simm.s32 $0x1B40  }
0xc1: {  	s13 =	sadd.s32 $0x1, s11;
	v60 =	vmul.f32 v38, v38;
	v48 =	vld [tilespmem:s4+$0xFFFFFFC0];
	v58 =	vadd.f32 v62, v16;
	v62 =	vmul.f32 v40, v40;
	s11 =	smul.f32 s15, s23  }
0xc2: {  	s12 =	smulhi.u32 $0x51EB851F, s13;
	v63 =	vadd.f32 v57, v55;
	v55 =	vmul.f32 s14, v47;
	v47 =	vld [tilespmem:s4+$0xFFFFFFD0];
	v49 =	vadd.f32 v49, v52  }
0xc3: {  	v51 =	vmul.f32 s14, v46;
	v46 =	vld [tilespmem:s4+$0xFFFFFFE0];
	v52 =	vadd.f32 v60, v56;
	v56 =	vadd.f32 v62, v61;
	s23 =	smul.f32 s11, s16  }
0xc4: {  	v41 =	vmul.f32 s14, v41;
	v57 =	vmul.f32 s14, v45;
	v45 =	vld [tilespmem:s4+$0xFFFFFFF0];
	v54 =	vadd.f32 v63, v53  }
0xc5: {  	v53 =	vmul.f32 s14, v43;
	s15 =	sshrl.u32 s12, $0x6;
	v43 =	vld [tilespmem:s4+$0x0];
	v62 =	vadd.f32 v49, v50;
	v63 =	vadd.f32 v56, v52;
	s23 =	smul.f32 s23, s11  }
0xc6: {  	v51 =	vadd.f32 s22, v51;
	v60 =	vmul.f32 s14, v44;
	v55 =	vadd.f32 s22, v55;
	v44 =	vld [tilespmem:s4+$0x20];
	s15 =	smul.u32 $0xFFFE7000, s15;
	(xrf2) =	vadd.scan.msk.f32 $0xffff, v54  }
0xc7: {  	v41 =	vadd.f32 s22, v41;
	s24 =	spop (v2sf);
	v50 =	vmul.f32 s14, v42;
	v52 =	vld.idx.msk [tilespmem:v59+s8+$0x0], $0xffff;
	v49 =	vadd.f32 v63, v62;
	s12 =	ssub.f32 $1.500000000e+00, s23  }
0xc8: {  	v57 =	vadd.f32 s22, v57;
	v42 =	vld [tilespmem:s4+$0x10];
	s14 =	sadd.s32 $0x80, s9;
	v55 =	vmul.f32 v55, v1;
	v60 =	vadd.f32 s22, v60;
	s18 =	sshra.s32 s15, $0x2;
	s15 =	smul.f32 $7.812500000e-03, s24  }
0xc9: {  	v51 =	vmul.f32 v51, v2;
	v59 =	vadd.f32 s22, v53;
	v53 =	vld [tilespmem:s4+$0x30];
	v50 =	vadd.f32 s22, v50;
	s23 =	sadd.s32 s18, s14;
	s9 =	smul.f32 s12, s11;
	(xrf2) =	vadd.scan.msk.f32 $0xffff, v49  }
0xca: {  	v61 =	vadd.f32 v55, v9;
	v55 =	vmul.f32 v60, v5;
	s24 =	smul.f32 s15, s15;
	v62 =	vmul.f32 v57, v3;
	v56 =	vld [tilespmem:s23+$0x0]  }
0xcb: {  	[tilespmem:s5+$0x30] =	vst v58;
	s18 =	spop (v2sf);
	v54 =	vmul.f32 v59, v4;
	v57 =	vld [tilespmem:s23+$0x10];
	v49 =	vadd.f32 v51, v10;
	v51 =	vmul.f32 v50, v6;
	s11 =	smul.f32 s9, s16  }
0xcc: {  	[tilespmem:s5+$0xFFFFFFC0] =	vst v61;
	s22 =	smul.f32 $7.812500000e-03, s18;
	v58 =	vld [tilespmem:s23+$0x20];
	v50 =	vadd.f32 v62, v11;
	vm0 =	veq.s32 v52, $0x0;
	v52 =	vmul.f32 v41, v7;
	s16 =	simm.s32 $0x5  }
.LBB2_5:
0xcd: {  	p0 =	sne.s32 s16, $0x7F;
	v59 =	vsel vm0, $0x0, v0;
	v60 =	vld [tilespmem:s23+$0x30];
	s11 =	smul.f32 s11, s9;
	[tilespmem:s5+$0xFFFFFFD0] =	vst v49;
	v61 =	vadd.f32 v54, v12;
	v54 =	vadd.f32 v55, v13;
	v41 =	vmovc v29  }
0xce: {  	v48 =	vmul.f32 v59, v48;
	v55 =	vld [tilespmem:s23+$0x40];
	s12 =	ssub.f32 s22, s24;
	[tilespmem:s5+$0xFFFFFFE0] =	vst v50;
	v50 =	vadd.f32 v51, v14;
	v51 =	vadd.f32 v52, v15  }
0xcf: {  	v29 =	vmov v39;
	v47 =	vmul.f32 v47, v59;
	v46 =	vmul.f32 v46, v59;
	v52 =	vld [tilespmem:s23+$0x50];
	s11 =	ssub.f32 $1.500000000e+00, s11;
	[tilespmem:s5+$0xFFFFFFF0] =	vst v61  }
0xd0: {  	v43 =	vmul.f32 v43, v59;
	v61 =	vmul.f32 v45, v59;
	v45 =	vld [tilespmem:s23+$0x60];
	v49, _, _ =	vpop (xrf2);
	s12 =	sadd.f32 $9.999999960e-13, s12;
	[tilespmem:s5+$0x0] =	vst v54  }
0xd1: {  	v42 =	vmul.f32 v42, v59;
	s22 =	ssub.f32 $0.0e+00, s6;
	s6 =	smov.u32 s15;
	v48 =	vadd.f32 v48, v56;
	v54 =	vadd.f32 v57, v47;
	v47 =	vld [tilespmem:s23+$0x70];
	s9 =	smul.f32 s11, s9;
	[tilespmem:s5+$0x10] =	vst v50  }
0xd2: {  	v44 =	vmul.f32 v44, v59;
	v50 =	vadd.f32 v58, v46;
	(v2sf) =	vpush v49, $0xF;
	s11 =	smul.f32 $5.000000000e-01, s12;
	[tilespmem:s5+$0x20] =	vst v51;
	s5 =	smov.u32 s0;
	s0 =	smov.u32 s2  }
0xd3: {  	v49 =	vadd.f32 v60, v61;
	s12 =	sshra.s32 s12, $0x1;
	s2 =	smov.u32 s3;
	v51 =	vadd.f32 v55, v43;
	v39, _, _ =	vpop (xrf2);
	s22 =	smul.f32 s9, s22;
	v43 =	vmul.f32 s9, v22  }
0xd4: {  	s3 =	smov.u32 s4;
	s12 =	ssub.s32 $0x5F3759DF, s12;
	v22 =	vmovc v33;
	v33 =	vmovc v40;
	v52 =	vadd.f32 v52, v42;
	v42 =	vmul.f32 v53, v59;
	(v2sf) =	vpush v39, $0xF  }
0xd5: {  	s15 =	smul.f32 s12, s11;
	v39 =	vadd.f32 v45, v44;
	v44 =	vmul.f32 s9, v17;
	v43 =	vadd.f32 s22, v43;
	v17 =	vmovc v25;
	v25 =	vmovc v36  }
0xd6: {  	v46 =	vmul.f32 v54, v54;
	v45 =	vmul.f32 v48, v48;
	v36 =	vmovc v48;
	v40 =	vadd.f32 v47, v42  }
0xd7: {  	v42 =	vmul.f32 v50, v50;
	v47 =	vadd.f32 v54, v36;
	s15 =	smul.f32 s12, s15;
	v43 =	vmul.f32 v43, v8  }
0xd8: {  	v53 =	vmul.f32 v49, v49;
	v55 =	vadd.f32 v49, v50;
	v56 =	vadd.f32 v52, v51  }
0xd9: {  	s23 =	sadd.s32 s16, s26;
	v57 =	vmul.f32 v51, v51;
	v58 =	vadd.f32 v40, v39;
	s15 =	ssub.f32 $1.500000000e+00, s15;
	v43 =	vadd.f32 v43, v16  }
0xda: {  	s4 =	sadd.s32 $0x80, s4;
	v59 =	vmov s23;
	v60 =	vmul.f32 v52, v52;
	v61 =	vmul.f32 v39, v39  }
0xdb: {  	s13 =	sadd.s32 $0x1, s13;
	v62 =	vmul.f32 v40, v40;
	v55 =	vadd.f32 v55, v47;
	v56 =	vadd.f32 v58, v56;
	s24 =	smul.f32 s12, s15;
	v48 =	vld [tilespmem:s4+$0xFFFFFFC0];
	[tilespmem:s5+$0x30] =	vst v43  }
0xdc: {  	v42 =	vadd.f32 v53, v42;
	v53 =	vmul.f32 s9, v18;
	v18 =	vmovc v21;
	v21 =	vmovc v34;
	s12 =	smulhi.u32 $0x51EB851F, s13;
	v58 =	vadd.f32 v46, v45;
	v47 =	vld [tilespmem:s4+$0xFFFFFFD0]  }
0xdd: {  	v57 =	vadd.f32 v60, v57;
	v34 =	vmovc v54;
	v60 =	vadd.f32 v62, v61;
	v61 =	vmul.f32 s9, v19;
	v19 =	vmovc v27;
	s15 =	smul.f32 s24, s11;
	v46 =	vld [tilespmem:s4+$0xFFFFFFE0]  }
0xde: {  	v27 =	vmovc v32;
	v32 =	vmovc v50;
	v54 =	vadd.f32 v56, v55;
	v55 =	vmul.f32 s9, v20;
	v56 =	vmul.f32 s9, v23;
	v45 =	vld [tilespmem:s4+$0xFFFFFFF0]  }
0xdf: {  	v30 =	vmul.f32 s9, v30;
	s12 =	sshrl.u32 s12, $0x6;
	v62 =	vadd.f32 v42, v58;
	v50 =	vadd.f32 v60, v57;
	v20 =	vmovc v26;
	v26 =	vmovc v37;
	s15 =	smul.f32 s15, s24;
	v43 =	vld [tilespmem:s4+$0x0]  }
0xe0: {  	v31 =	vmul.f32 s9, v31;
	v57 =	vadd.f32 s22, v53;
	v37 =	vmovc v49;
	s12 =	smul.u32 $0xFFFE7000, s12;
	v58 =	vld.idx.msk [tilespmem:v59+s8+$0x0], $0xffff;
	(xrf2) =	vadd.scan.msk.f32 $0xffff, v54;
	v54 =	vadd.f32 s22, v44  }
0xe1: {  	s9 =	spop (v2sf)  }
0xe2: {  	v23 =	vmovc v24;
	v24 =	vmovc v35;
	v35 =	vmov v51;
	v49 =	vadd.f32 v50, v62;
	v50 =	vadd.f32 s22, v61;
	s18 =	ssub.f32 $1.500000000e+00, s15;
	v42 =	vld [tilespmem:s4+$0x10];
	s15 =	smul.f32 $7.812500000e-03, s9  }
.Ltmp1:
0xe3: {  	s14 =	sadd.s32 $0x80, s14;
	s12 =	sshra.s32 s12, $0x2;
	v44 =	vld [tilespmem:s4+$0x20];
	v51 =	vmul.f32 v54, v1;
	v54 =	vadd.f32 s22, v55;
	v55 =	vadd.f32 s22, v56;
	(pc) =	sbr.rel @p0 .LBB2_5-.Ltmp1, $4  }
0xe4: {  	v61 =	vadd.f32 s22, v31;
	s23 =	sadd.s32 s12, s14;
	v59 =	vadd.f32 s22, v30;
	v30 =	vmovc v28;
	s9 =	smul.f32 s18, s24;
	v53 =	vld [tilespmem:s4+$0x30];
	(xrf2) =	vadd.scan.msk.f32 $0xffff, v49;
	s12 =	spop (v2sf);
	v49 =	vmul.f32 v57, v2  }
0xe5: {  	v50 =	vmul.f32 v50, v3;
	v28 =	vmovc v38;
	v56 =	vld [tilespmem:s23+$0x0];
	s22 =	smul.f32 $7.812500000e-03, s12;
	v60 =	vadd.f32 v51, v9;
	v54 =	vmul.f32 v54, v4  }
0xe6: {  	v38 =	vmovc v52;
	s11 =	smul.f32 s9, s11;
	v55 =	vmul.f32 v55, v5;
	v51 =	vmul.f32 v59, v6;
	v57 =	vld [tilespmem:s23+$0x10];
	v49 =	vadd.f32 v49, v10  }
0xe7: {  	s16 =	sadd.s32 $0x1, s16;
	v31 =	vmovc v41;
	v52 =	vmul.f32 v61, v7;
	v50 =	vadd.f32 v50, v11;
	s24 =	smul.f32 s15, s15;
	vm0 =	veq.s32 v58, $0x0;
	v58 =	vld [tilespmem:s23+$0x20];
	[tilespmem:s5+$0xFFFFFFC0] =	vst v60  }
0xe8: {  	v41 =	vld [tilespmem:s23+$0x30]  }
0xe9: {  	v59 =	vld [tilespmem:s23+$0x40];
	v60 =	vsel vm0, $0x0, v0  }
0xea: {  	v61 =	vld [tilespmem:s23+$0x50];
	v48 =	vmul.f32 v60, v48  }
0xeb: {  	v63 =	vld [tilespmem:s23+$0x60];
	v62 =	vmul.f32 v47, v60;
	v46 =	vmul.f32 v46, v60  }
0xec: {  	v45 =	vmul.f32 v45, v60;
	v47 =	vld [tilespmem:s23+$0x70];
	v43 =	vmul.f32 v43, v60  }
0xed: {  	v42 =	vmul.f32 v42, v60;
	v56 =	vadd.f32 v48, v56;
	v57 =	vadd.f32 v57, v62  }
0xee: {  	v46 =	vadd.f32 v58, v46;
	v58 =	vmul.f32 v44, v60;
	v45 =	vadd.f32 v41, v45  }
0xef: {  	v60 =	vmul.f32 v53, v60;
	v62 =	vadd.f32 v59, v43;
	v41 =	vadd.f32 v61, v42  }
0xf0: {  	v53 =	vmul.f32 v56, v56;
	v44 =	vadd.f32 v57, v56;
	v42 =	vadd.f32 v63, v58  }
0xf1: {  	v58 =	vmul.f32 v57, v57;
	v48 =	vadd.f32 v47, v60;
	v43 =	vmul.f32 v46, v46  }
0xf2: {  	v59 =	vmul.f32 v45, v45;
	[tilespmem:$0x1FFD0] =	vst v62;
	v61 =	vadd.f32 v41, v62;
	v62 =	vmul.f32 v62, v62  }
0xf3: {  	[tilespmem:$0x1FFC0] =	vst v45;
	v60 =	vadd.f32 v45, v46;
	v63 =	vmul.f32 v41, v41;
	v47 =	vmul.f32 v42, v42  }
0xf4: {  	[tilespmem:$0x1FFE0] =	vst v41;
	v53 =	vadd.f32 v58, v53;
	v41 =	vmul.f32 v48, v48;
	v45 =	vadd.f32 v59, v43  }
0xf5: {  	v59 =	vadd.f32 v48, v42;
	v62 =	vadd.f32 v63, v62  }
0xf6: {  	v60 =	vadd.f32 v60, v44;
	v41 =	vadd.f32 v41, v47  }
0xf7: {  	v58, _, _ =	vpop (xrf2);
	v63 =	vadd.f32 v59, v61;
	v47 =	vadd.f32 v45, v53  }
0xf8: {  	(v2sf) =	vpush v58, $0xF;
	v41 =	vadd.f32 v41, v62  }
0xf9: {  	v43 =	vadd.f32 v63, v60  }
0xfa: {  	v59, _, _ =	vpop (xrf2);
	v41 =	vadd.f32 v41, v47  }
0xfb: {  	s12 =	ssub.f32 s22, s24;
	(v2sf) =	vpush v59, $0xF;
	(xrf2) =	vadd.scan.msk.f32 $0xffff, v43  }
0xfc: {  	(xrf2) =	vadd.scan.msk.f32 $0xffff, v41  }
0xfd: {  	s12 =	sadd.f32 $9.999999960e-13, s12;
	_ =	sdelay $0x1  }
0xfe: {  	s13 =	smul.f32 $5.000000000e-01, s12;
	s12 =	sshra.s32 s12, $0x1  }
0xff: {  	s12 =	ssub.s32 $0x5F3759DF, s12  }
0x100: {  	s14 =	smul.f32 s12, s13;
	_ =	sdelay $0x1  }
0x101: {  	s14 =	smul.f32 s12, s14;
	_ =	sdelay $0x1  }
0x102: {  	s14 =	ssub.f32 $1.500000000e+00, s14;
	v60, _, _ =	vpop (xrf2)  }
0x103: {  	s16 =	smul.f32 s11, s9;
	(v2sf) =	vpush v60, $0xF;
	v61, _, _ =	vpop (xrf2)  }
0x104: {  	s12 =	smul.f32 s12, s14;
	s22 =	spop (v2sf);
	(v2sf) =	vpush v61, $0xF  }
0x105: {  	s11 =	smul.f32 $7.812500000e-03, s22  }
0x106: {  	s24 =	smul.f32 s12, s13  }
0x107: {  	s23 =	spop (v2sf);
	s18 =	smul.f32 s11, s11  }
0x108: {  	s14 =	smul.f32 $7.812500000e-03, s23  }
0x109: {  	s16 =	ssub.f32 $1.500000000e+00, s16;
	s23 =	smul.f32 s24, s12  }
0x10a: {  	s14 =	ssub.f32 s14, s18  }
0x10b: {  	s18 =	ssub.f32 $1.500000000e+00, s23  }
0x10c: {  	s16 =	smul.f32 s16, s9;
	s24 =	sadd.f32 $9.999999960e-13, s14  }
0x10d: {  	s12 =	smul.f32 s18, s12  }
0x10e: {  	s14 =	smul.f32 $5.000000000e-01, s24;
	s22 =	sshra.s32 s24, $0x1  }
0x10f: {  	s13 =	smul.f32 s12, s13;
	s18 =	ssub.s32 $0x5F3759DF, s22  }
0x110: {  	s22 =	smul.f32 s18, s14  }
0x111: {  	s6 =	ssub.f32 $0.0e+00, s6;
	s13 =	smul.f32 s13, s12  }
0x112: {  	s22 =	smul.f32 s18, s22;
	s23 =	spop (v2sf)  }
0x113: {  	s9 =	smul.f32 $7.812500000e-03, s23;
	s24 =	spop (v2sf)  }
0x114: {  	v22 =	vmul.f32 s16, v22;
	v17 =	vmul.f32 s16, v17;
	s13 =	ssub.f32 $1.500000000e+00, s13;
	s23 =	smul.f32 $7.812500000e-03, s24  }
0x115: {  	v18 =	vmul.f32 s16, v18;
	v19 =	vmul.f32 s16, v19;
	s22 =	ssub.f32 $1.500000000e+00, s22;
	s24 =	smul.f32 s9, s9  }
0x116: {  	s15 =	ssub.f32 $0.0e+00, s15;
	v20 =	vmul.f32 s16, v20;
	v23 =	vmul.f32 s16, v23;
	s13 =	smul.f32 s13, s12  }
0x117: {  	v30 =	vmul.f32 s16, v30;
	v31 =	vmul.f32 s16, v31;
	s18 =	smul.f32 s18, s22;
	s23 =	ssub.f32 s23, s24  }
0x118: {  	v45 =	vadd.f32 v51, v14;
	v62 =	vadd.f32 v54, v12;
	s15 =	smul.f32 s13, s15;
	v33 =	vmul.f32 s13, v33  }
0x119: {  	v63 =	vadd.f32 v55, v13;
	v25 =	vmul.f32 s13, v25;
	v21 =	vmul.f32 s13, v21;
	s24 =	smul.f32 s16, s6;
	s23 =	sadd.f32 $9.999999960e-13, s23  }
0x11a: {  	v47 =	vadd.f32 v52, v15;
	v27 =	vmul.f32 s13, v27;
	s22 =	smul.f32 s18, s14;
	v33 =	vadd.f32 s15, v33  }
0x11b: {  	[tilespmem:$0x1FFF0] =	vst v42;
	v26 =	vmul.f32 s13, v26;
	v25 =	vadd.f32 s15, v25;
	v21 =	vadd.f32 s15, v21;
	s6 =	smul.f32 $5.000000000e-01, s23  }
0x11c: {  	[tilespmem:s5+$0xFFFFFFD0] =	vst v49;
	v24 =	vmul.f32 s13, v24;
	v22 =	vadd.f32 s24, v22;
	v17 =	vadd.f32 s24, v17;
	s12 =	sshra.s32 s23, $0x1;
	s23 =	smul.f32 s22, s18  }
0x11d: {  	[tilespmem:s5+$0xFFFFFFE0] =	vst v50;
	v28 =	vmul.f32 s13, v28;
	v18 =	vadd.f32 s24, v18;
	v19 =	vadd.f32 s24, v19  }
0x11e: {  	[tilespmem:s5+$0x10] =	vst v45;
	v20 =	vadd.f32 s24, v20;
	v23 =	vadd.f32 s24, v23;
	v33 =	vmul.f32 v33, v8;
	s12 =	ssub.s32 $0x5F3759DF, s12;
	s16 =	ssub.f32 $1.500000000e+00, s23  }
0x11f: {  	[tilespmem:s5+$0xFFFFFFF0] =	vst v62;
	v30 =	vadd.f32 s24, v30;
	v31 =	vadd.f32 s24, v31;
	v22 =	vmul.f32 v22, v8;
	s24 =	smul.f32 s12, s6  }
0x120: {  	[tilespmem:s5+$0x0] =	vst v63;
	v27 =	vadd.f32 s15, v27;
	v17 =	vmul.f32 v17, v1;
	v33 =	vadd.f32 v33, v16;
	s16 =	smul.f32 s16, s18  }
0x121: {  	[tilespmem:s5+$0x20] =	vst v47;
	v24 =	vadd.f32 s15, v24;
	v18 =	vmul.f32 v18, v2;
	v22 =	vadd.f32 v22, v16;
	s22 =	smul.f32 s12, s24  }
0x122: {  	v19 =	vmul.f32 v19, v3;
	v20 =	vmul.f32 v20, v4;
	v17 =	vadd.f32 v17, v9;
	[tilespmem:s2+$0x30] =	vst v33;
	s14 =	smul.f32 s16, s14  }
0x123: {  	v23 =	vmul.f32 v23, v5;
	v30 =	vmul.f32 v30, v6;
	v18 =	vadd.f32 v18, v10;
	[tilespmem:s0+$0x30] =	vst v22;
	s22 =	ssub.f32 $1.500000000e+00, s22  }
0x124: {  	v31 =	vmul.f32 v31, v7;
	v19 =	vadd.f32 v19, v11;
	v20 =	vadd.f32 v20, v12;
	[tilespmem:s0+$0xFFFFFFC0] =	vst v17;
	s14 =	smul.f32 s14, s16  }
0x125: {  	v25 =	vmul.f32 v25, v1;
	v23 =	vadd.f32 v23, v13;
	v30 =	vadd.f32 v30, v14;
	[tilespmem:s0+$0xFFFFFFD0] =	vst v18;
	s12 =	smul.f32 s12, s22  }
0x126: {  	v21 =	vmul.f32 v21, v2;
	v31 =	vadd.f32 v31, v15;
	v17 =	vadd.f32 s15, v26;
	[tilespmem:s0+$0xFFFFFFE0] =	vst v19;
	s14 =	ssub.f32 $1.500000000e+00, s14  }
0x127: {  	v22 =	vmul.f32 s13, v29;
	v18 =	vadd.f32 s15, v28;
	v19 =	vadd.f32 v25, v9;
	[tilespmem:s0+$0xFFFFFFF0] =	vst v20;
	s18 =	smul.f32 s12, s6  }
0x128: {  	s11 =	ssub.f32 $0.0e+00, s11;
	v25 =	vmul.f32 v27, v3;
	v20 =	vadd.f32 v21, v10;
	v21 =	vmul.f32 v24, v5;
	[tilespmem:s0+$0x0] =	vst v23;
	s24 =	smul.f32 s14, s16  }
0x129: {  	[tilespmem:s0+$0x10] =	vst v30;
	v22 =	vadd.f32 s15, v22;
	v17 =	vmul.f32 v17, v4;
	v18 =	vmul.f32 v18, v6;
	s23 =	smul.f32 s18, s12  }
0x12a: {  	[tilespmem:s0+$0x20] =	vst v31;
	v23 =	vadd.f32 v25, v11;
	v21 =	vadd.f32 v21, v13;
	s11 =	smul.f32 s24, s11;
	v26 =	vmul.f32 s24, v40  }
0x12b: {  	[tilespmem:s2+$0xFFFFFFC0] =	vst v19;
	v22 =	vmul.f32 v22, v7;
	v17 =	vadd.f32 v17, v12;
	v25 =	vmul.f32 s24, v36  }
0x12c: {  	[tilespmem:s2+$0xFFFFFFD0] =	vst v20;
	v18 =	vadd.f32 v18, v14;
	s5 =	ssub.f32 $1.500000000e+00, s23;
	v27 =	vmul.f32 s24, v32;
	v24 =	vadd.f32 s11, v26  }
0x12d: {  	[tilespmem:s2+$0xFFFFFFE0] =	vst v23;
	v22 =	vadd.f32 v22, v15;
	v19 =	vmul.f32 s24, v37;
	v25 =	vadd.f32 s11, v25  }
0x12e: {  	[tilespmem:s2+$0x0] =	vst v21;
	s5 =	smul.f32 s5, s12;
	v26 =	vmul.f32 s24, v34;
	v23 =	vadd.f32 s11, v27;
	v24 =	vmul.f32 v24, v8  }
0x12f: {  	[tilespmem:s2+$0xFFFFFFF0] =	vst v17;
	v28 =	vmul.f32 s24, v35;
	v19 =	vadd.f32 s11, v19;
	v25 =	vmul.f32 v25, v1  }
0x130: {  	[tilespmem:s2+$0x10] =	vst v18;
	s6 =	smul.f32 s5, s6;
	v26 =	vadd.f32 s11, v26;
	v18 =	vmul.f32 v23, v3;
	v24 =	vadd.f32 v24, v16  }
0x131: {  	[tilespmem:s2+$0x20] =	vst v22;
	v20 =	vmul.f32 s24, v38;
	v19 =	vmul.f32 v19, v4;
	v25 =	vadd.f32 v25, v9  }
0x132: {  	v17 =	vadd.f32 s11, v28;
	s6 =	smul.f32 s6, s5;
	v26 =	vmul.f32 v26, v2;
	v18 =	vadd.f32 v18, v11;
	[tilespmem:s3+$0x30] =	vst v24  }
0x133: {  	v19 =	vadd.f32 v19, v12;
	[tilespmem:s3+$0xFFFFFFC0] =	vst v25  }
0x134: {  	v20 =	vadd.f32 s11, v20;
	v17 =	vmul.f32 v17, v5;
	s0 =	ssub.f32 $1.500000000e+00, s6;
	v23 =	vadd.f32 v26, v10;
	[tilespmem:s3+$0xFFFFFFE0] =	vst v18  }
0x135: {  	[tilespmem:s3+$0xFFFFFFF0] =	vst v19  }
0x136: {  	s9 =	ssub.f32 $0.0e+00, s9;
	v20 =	vmul.f32 v20, v6;
	v17 =	vadd.f32 v17, v13;
	s0 =	smul.f32 s0, s5;
	[tilespmem:s3+$0xFFFFFFD0] =	vst v23  }
0x137: {  	v29 =	vmul.f32 s24, v39;
	v19 =	vld [tilespmem:$0x1FFC0]  }
0x138: {  	v20 =	vadd.f32 v20, v14;
	v25 =	vld [tilespmem:$0x1FFD0];
	[tilespmem:s3+$0x0] =	vst v17;
	s5 =	smul.f32 s0, s9;
	v27 =	vmul.f32 s0, v48  }
0x139: {  	v21 =	vadd.f32 s11, v29;
	v24 =	vmul.f32 s0, v56;
	v17 =	vld [tilespmem:$0x1FFE0]  }
0x13a: {  	v23 =	vmul.f32 s0, v57;
	[tilespmem:s3+$0x10] =	vst v20;
	v22 =	vadd.f32 s5, v27  }
0x13b: {  	v21 =	vmul.f32 v21, v7;
	v20 =	vld [tilespmem:$0x1FFF0];
	v24 =	vadd.f32 s5, v24  }
0x13c: {  	v23 =	vadd.f32 s5, v23;
	v22 =	vmul.f32 v22, v8;
	v19 =	vmul.f32 s0, v19  }
0x13d: {  	v25 =	vmul.f32 s0, v25;
	v24 =	vmul.f32 v24, v1  }
0x13e: {  	v21 =	vadd.f32 v21, v15;
	v23 =	vmul.f32 v23, v2;
	v17 =	vmul.f32 s0, v17  }
0x13f: {  	v18 =	vadd.f32 v22, v16;
	v22 =	vmul.f32 s0, v46;
	v19 =	vadd.f32 s5, v19  }
0x140: {  	[tilespmem:s3+$0x20] =	vst v21;
	v20 =	vmul.f32 s0, v20;
	v21 =	vadd.f32 s5, v25;
	v24 =	vadd.f32 v24, v9  }
0x141: {  	v17 =	vadd.f32 s5, v17;
	v22 =	vadd.f32 s5, v22;
	[tilespmem:s4+$0x30] =	vst v18;
	v18 =	vmul.f32 v19, v4  }
0x142: {  	v19 =	vadd.f32 v23, v10;
	v20 =	vadd.f32 s5, v20;
	v21 =	vmul.f32 v21, v5  }
0x143: {  	[tilespmem:s4+$0xFFFFFFC0] =	vst v24;
	v17 =	vmul.f32 v17, v6;
	v18 =	vadd.f32 v18, v12  }
0x144: {  	v22 =	vmul.f32 v22, v3;
	[tilespmem:s4+$0xFFFFFFD0] =	vst v19;
	v19 =	vmul.f32 v20, v7;
	v20 =	vadd.f32 v21, v13  }
0x145: {  	v17 =	vadd.f32 v17, v14;
	[tilespmem:s4+$0xFFFFFFF0] =	vst v18  }
0x146: {  	s11 =	sshll.u32 s30, $0xF;
	v22 =	vadd.f32 v22, v11;
	[tilespmem:s4+$0x0] =	vst v20  }
0x147: {  	s0 =	sadd.s32 s10, s11;
	v18 =	vadd.f32 v19, v15;
	[tilespmem:s4+$0x10] =	vst v17  }
0x148: {  	s0 =	sshrl.u32 s0, $0x3;
	[tilespmem:s4+$0xFFFFFFE0] =	vst v22  }
0x149: {  	p0 =	seq.s32 s30, $0x18;
	s0 =	sadd.s32 s7, s0;
	[tilespmem:s4+$0x20] =	vst v18  }
0x14a: {  	[hbm4b:s0+s8] =	stream.linear.scatter [tilespmem:s17], [sflag:$0x3], $0x4000, $0x38;
	[tilespmem:$0xFE80] =	vst v63  }
0x14b: {  	s0 =	simm.s32 @!p0 $0x3  }
0x14c: {  	_ =	swait.ge @!p0 [sflag:s0], $0x4000  }
0x14d: {  	s2 =	sshll.u32 @!p0 s30, $0x8;
	[sflag:s0] =	ssyncset.done @!p0 $0x0  }
0x14e: {  	[sflag:s0] =	ssyncadd.s32 @!p0 $0xFFFFC000;
	s0 =	sand.u32 @!p0 $0x3FFFFF00, s2  }
0x14f: {  	s3 =	simm.s32 @!p0 $0x1900;
	s2 =	simm.s32 @!p0 $0x80;
	s0 =	sadd.s32 @!p0 $0x100, s0  }
0x150: {  	[tilespmem:s3], [sflag:$0x1] =	stream.indirect.gather @!p0 [hbm4b:s1+s2], $0x80, s0, s2, $0xb8;
	[tilespmem:$0xFE80] =	vst v63  }
0x151: {  	_ =	swait.ge [sflag:s21], $0x4000  }
0x152: {  	[sflag:s21] =	ssyncset.done $0x0  }
0x153: {  	s5 =	simm.s32 $0x0;
	[sflag:s21] =	ssyncadd.s32 $0xFFFFC000  }
0x154: {  	v17 =	vmov s25;
	v18 =	vld [tilespmem:s5+$0x5900]  }
0x155: {  	s12 =	smulhi.u32 $0x51EB851F, s25;
	v19 =	vld [tilespmem:s5+$0x5910]  }
0x156: {  	v20 =	vld [tilespmem:s5+$0x5920]  }
0x157: {  	s0 =	sshrl.u32 s12, $0x6;
	v21 =	vld [tilespmem:s5+$0x5930]  }
0x158: {  	s0 =	smul.u32 $0xFFFE7000, s0;
	v22 =	vld [tilespmem:s5+$0x5940]  }
0x159: {  	v17 =	vld.idx.msk [tilespmem:v17+s8+$0x0], $0xffff  }
0x15a: {  	s0 =	sshra.s32 s0, $0x2;
	v23 =	vld [tilespmem:s5+$0x5950]  }
0x15b: {  	s0 =	sadd.s32 s0, s29;
	v24 =	vld [tilespmem:s5+$0x5960]  }
0x15c: {  	v25 =	vld [tilespmem:s5+$0x5970];
	s0 =	sadd.s32 $0x0, s0  }
0x15d: {  	v26 =	vld [tilespmem:s0+$0xFFFFFF90]  }
0x15e: {  	v27 =	vld [tilespmem:s0+$0xFFFFFFA0]  }
0x15f: {  	v28 =	vld [tilespmem:s0+$0xFFFFFFB0]  }
0x160: {  	v29 =	vld [tilespmem:s0+$0xFFFFFFC0]  }
0x161: {  	v31 =	vld [tilespmem:s0+$0xFFFFFFE0];
	vm11 =	veq.s32 v17, $0x0  }
0x162: {  	s13 =	sadd.s32 $0x1, s25;
	v17 =	vld [tilespmem:s0+$0xFFFFFFD0];
	v30 =	vsel vm11, $0x0, v0  }
0x163: {  	s14 =	smulhi.u32 $0x51EB851F, s13;
	v48 =	vld [tilespmem:s0+$0xFFFFFFF0];
	v18 =	vmul.f32 v30, v18;
	v19 =	vmul.f32 v19, v30  }
0x164: {  	v20 =	vmul.f32 v20, v30;
	v21 =	vmul.f32 v21, v30  }
0x165: {  	s3 =	sshrl.u32 s14, $0x6;
	v49 =	vld [tilespmem:s0+$0x0];
	v22 =	vmul.f32 v22, v30;
	v47 =	vadd.f32 v18, v26;
	v46 =	vadd.f32 v27, v19  }
0x166: {  	s3 =	smul.u32 $0xFFFE7000, s3;
	v18 =	vmul.f32 v23, v30;
	v45 =	vadd.f32 v28, v20;
	v19 =	vmul.f32 v24, v30  }
0x167: {  	v43 =	vadd.f32 v29, v21;
	v44 =	vadd.f32 v17, v22;
	v17 =	vmul.f32 v25, v30  }
0x168: {  	s3 =	sshra.s32 s3, $0x2;
	v42 =	vadd.f32 v31, v18;
	v41 =	vadd.f32 v48, v19;
	v18 =	vmul.f32 v47, v47  }
0x169: {  	s3 =	sadd.s32 s3, s29;
	v19 =	vmul.f32 v46, v46;
	v20 =	vadd.f32 v46, v47;
	v21 =	vmul.f32 v43, v43  }
0x16a: {  	s3 =	sadd.s32 $0x80, s3;
	v22 =	vadd.f32 v43, v45;
	v38 =	vadd.f32 v49, v17;
	v17 =	vmul.f32 v45, v45  }
0x16b: {  	v50 =	vld [tilespmem:s3+$0xFFFFFFF0];
	s0 =	simm.s32 $0x80;
	v24 =	vmul.f32 v44, v44;
	v23 =	vadd.f32 v42, v44;
	v27 =	vmul.f32 v42, v42  }
0x16c: {  	v29 =	vld [tilespmem:s0+$0x5900];
	v28 =	vmul.f32 v41, v41;
	v18 =	vadd.f32 v19, v18;
	v30 =	vmul.f32 v38, v38  }
0x16d: {  	v26 =	vmov s13;
	v19 =	vld [tilespmem:s0+$0x5920];
	v25 =	vadd.f32 v38, v41;
	v17 =	vadd.f32 v21, v17  }
0x16e: {  	v21 =	vadd.f32 v27, v24;
	v27 =	vld [tilespmem:s3+$0xFFFFFFB0];
	v24 =	vadd.f32 v30, v28  }
0x16f: {  	v20 =	vadd.f32 v22, v20;
	v22 =	vadd.f32 v25, v23;
	v23 =	vld [tilespmem:s0+$0x5910]  }
0x170: {  	v25 =	vld [tilespmem:s0+$0x5930];
	v17 =	vadd.f32 v17, v18;
	v18 =	vadd.f32 v24, v21  }
0x171: {  	v30 =	vld [tilespmem:s3+$0xFFFFFFD0];
	v20 =	vadd.f32 v22, v20  }
0x172: {  	v21 =	vld.idx.msk [tilespmem:v26+s8+$0x0], $0xffff;
	v17 =	vadd.f32 v18, v17  }
0x173: {  	v22 =	vld [tilespmem:s0+$0x5940];
	(xrf2) =	vadd.scan.msk.f32 $0xffff, v20  }
0x174: {  	v24 =	vld [tilespmem:s0+$0x5950];
	(xrf2) =	vadd.scan.msk.f32 $0xffff, v17  }
0x175: {  	v20 =	vld [tilespmem:s0+$0x5960]  }
0x176: {  	v17 =	vld [tilespmem:s3+$0xFFFFFF90]  }
0x177: {  	v18 =	vld [tilespmem:s3+$0xFFFFFFA0];
	vm12 =	veq.s32 v21, $0x0  }
0x178: {  	v21 =	vld [tilespmem:s3+$0xFFFFFFC0];
	v28 =	vsel vm12, $0x0, v0  }
0x179: {  	v31 =	vld [tilespmem:s3+$0xFFFFFFE0];
	v29 =	vmul.f32 v28, v29  }
0x17a: {  	v26 =	vld [tilespmem:s0+$0x5970];
	v23 =	vmul.f32 v23, v28;
	v19 =	vmul.f32 v19, v28  }
0x17b: {  	v25 =	vmul.f32 v25, v28;
	v22 =	vmul.f32 v22, v28;
	v17 =	vadd.f32 v29, v17  }
0x17c: {  	v18 =	vadd.f32 v18, v23;
	v23 =	vmul.f32 v24, v28;
	v19 =	vadd.f32 v27, v19  }
0x17d: {  	v29 =	vld [tilespmem:s3+$0x0];
	v24 =	vmul.f32 v20, v28;
	v22 =	vadd.f32 v30, v22;
	v20 =	vadd.f32 v21, v25;
	v51, _, _ =	vpop (xrf2)  }
0x17e: {  	s15 =	sadd.s32 $0x1, s13;
	v23 =	vadd.f32 v31, v23;
	(v2sf) =	vpush v51, $0xF;
	v21, _, _ =	vpop (xrf2)  }
0x17f: {  	s16 =	smulhi.u32 $0x51EB851F, s15;
	v25 =	vmul.f32 v26, v28;
	v31 =	vadd.f32 v50, v24;
	(v2sf) =	vpush v21, $0xF  }
0x180: {  	v24 =	vmul.f32 v17, v17;
	v26 =	vmul.f32 v18, v18;
	v27 =	vadd.f32 v18, v17  }
0x181: {  	s4 =	sshrl.u32 s16, $0x6;
	v52 =	vmul.f32 v22, v22;
	v28 =	vmul.f32 v20, v20;
	v30 =	vadd.f32 v23, v22  }
0x182: {  	s4 =	smul.u32 $0xFFFE7000, s4;
	v54 =	vmul.f32 v23, v23;
	v21 =	vadd.f32 v29, v25;
	v29 =	vadd.f32 v20, v19  }
0x183: {  	s2 =	simm.s32 $0x100;
	v55 =	vmul.f32 v31, v31;
	v24 =	vadd.f32 v26, v24;
	v25 =	vmul.f32 v19, v19  }
0x184: {  	s4 =	sshra.s32 s4, $0x2;
	v57 =	vld [tilespmem:s2+$0x5900];
	v53 =	vadd.f32 v21, v31;
	v56 =	vmul.f32 v21, v21;
	v27 =	vadd.f32 v29, v27  }
0x185: {  	s4 =	sadd.s32 s4, s29;
	v59 =	vld [tilespmem:s2+$0x5920];
	v25 =	vadd.f32 v28, v25;
	v28 =	vadd.f32 v54, v52  }
0x186: {  	s22 =	sadd.s32 $0x100, s4;
	v32 =	vld [tilespmem:s2+$0x5970];
	v29 =	vadd.f32 v53, v30;
	v30 =	vmov s15;
	v58 =	vadd.f32 v56, v55  }
0x187: {  	v60 =	vld [tilespmem:s22+$0xFFFFFFA0];
	v24 =	vadd.f32 v25, v24  }
0x188: {  	v61 =	vld [tilespmem:s22+$0xFFFFFFB0];
	v27 =	vadd.f32 v29, v27;
	v25 =	vadd.f32 v58, v28  }
0x189: {  	v63 =	vld [tilespmem:s22+$0xFFFFFFD0]  }
0x18a: {  	v26 =	vld [tilespmem:s2+$0x5910];
	(xrf2) =	vadd.scan.msk.f32 $0xffff, v27;
	v24 =	vadd.f32 v25, v24  }
0x18b: {  	v30 =	vld.idx.msk [tilespmem:v30+s8+$0x0], $0xffff  }
0x18c: {  	v54 =	vld [tilespmem:s22+$0xFFFFFFE0];
	(xrf2) =	vadd.scan.msk.f32 $0xffff, v24  }
0x18d: {  	v29 =	vld [tilespmem:s2+$0x5930];
	s18 =	spop (v2sf)  }
0x18e: {  	v28 =	vld [tilespmem:s2+$0x5940];
	s4 =	smul.f32 $7.812500000e-03, s18;
	s23 =	spop (v2sf)  }
0x18f: {  	v58 =	vld [tilespmem:s22+$0x0];
	s6 =	smul.f32 $7.812500000e-03, s23  }
0x190: {  	v25 =	vld [tilespmem:s2+$0x5950];
	vm13 =	veq.s32 v30, $0x0;
	s24 =	smul.f32 s4, s4  }
0x191: {  	v24 =	vld [tilespmem:s22+$0xFFFFFF90];
	v62 =	vsel vm13, $0x0, v0  }
0x192: {  	v27 =	vld [tilespmem:s2+$0x5960];
	v33 =	vmul.f32 v62, v57;
	s6 =	ssub.f32 s6, s24  }
0x193: {  	v30 =	vld [tilespmem:s22+$0xFFFFFFC0];
	v55 =	vmul.f32 v26, v62;
	v34 =	vmul.f32 v59, v62  }
0x194: {  	v56 =	vld [tilespmem:s22+$0xFFFFFFF0];
	v57 =	vmul.f32 v29, v62;
	v32 =	vmul.f32 v32, v62;
	v26, _, _ =	vpop (xrf2);
	s6 =	sadd.f32 $9.999999960e-13, s6  }
0x195: {  	v28 =	vmul.f32 v28, v62;
	v29 =	vadd.f32 v61, v34;
	(v2sf) =	vpush v26, $0xF  }
0x196: {  	v59 =	vmul.f32 v25, v62;
	v32 =	vadd.f32 v58, v32;
	v26 =	vadd.f32 v33, v24;
	v25, _, _ =	vpop (xrf2);
	s11 =	smul.f32 $5.000000000e-01, s6;
	s6 =	sshra.s32 s6, $0x1  }
0x197: {  	v24 =	vadd.f32 v60, v55;
	v60 =	vmul.f32 v27, v62;
	(v2sf) =	vpush v25, $0xF;
	s6 =	ssub.s32 $0x5F3759DF, s6  }
0x198: {  	v27 =	vadd.f32 v30, v57;
	v35 =	vmul.f32 v29, v29;
	v25 =	vadd.f32 v63, v28;
	s12 =	smul.f32 s6, s11  }
0x199: {  	v28 =	vadd.f32 v54, v59;
	v30 =	vadd.f32 v56, v60;
	v33 =	vmul.f32 v26, v26  }
0x19a: {  	v34 =	vmul.f32 v24, v24;
	v61 =	vadd.f32 v24, v26;
	v62 =	vmul.f32 v27, v27;
	s13 =	smul.f32 s6, s12  }
0x19b: {  	s9 =	sadd.s32 $0x1, s15;
	s3 =	simm.s32 $0x180;
	v63 =	vadd.f32 v27, v29;
	v60 =	vmul.f32 v32, v32;
	v40 =	vadd.f32 v28, v25  }
0x19c: {  	s14 =	smulhi.u32 $0x51EB851F, s9;
	v39 =	vld [tilespmem:s3+$0x5940];
	v57 =	vmul.f32 v25, v25;
	v49 =	vadd.f32 v32, v30;
	v58 =	vmul.f32 v28, v28;
	s12 =	ssub.f32 $1.500000000e+00, s13  }
0x19d: {  	v48 =	vld [tilespmem:s3+$0x5950];
	v59 =	vmul.f32 v30, v30;
	v36 =	vadd.f32 v63, v61;
	v33 =	vadd.f32 v34, v33  }
0x19e: {  	v50 =	vmov s9;
	v53 =	vld [tilespmem:s3+$0x5900];
	s15 =	sshrl.u32 s14, $0x6;
	v62 =	vadd.f32 v62, v35;
	v61 =	vadd.f32 v49, v40;
	s12 =	smul.f32 s6, s12  }
0x19f: {  	v63 =	vld [tilespmem:s3+$0x5920];
	v57 =	vadd.f32 v58, v57;
	v58 =	vadd.f32 v60, v59;
	s6 =	smul.u32 $0xFFFE7000, s15  }
0x1a0: {  	v34 =	vld [tilespmem:s3+$0x5960];
	v36 =	vadd.f32 v61, v36;
	s16 =	smul.f32 s12, s11  }
0x1a1: {  	v40 =	vld [tilespmem:s3+$0x5910];
	v33 =	vadd.f32 v62, v33;
	v59 =	vadd.f32 v58, v57  }
0x1a2: {  	v49 =	vld [tilespmem:s3+$0x5930];
	(xrf2) =	vadd.scan.msk.f32 $0xffff, v36;
	s6 =	sshra.s32 s6, $0x2;
	s13 =	smul.f32 s16, s12  }
0x1a3: {  	v60 =	vld.idx.msk [tilespmem:v50+s8+$0x0], $0xffff;
	v33 =	vadd.f32 v59, v33;
	s22 =	sadd.s32 s6, s29  }
0x1a4: {  	v50 =	vld [tilespmem:s3+$0x5970];
	s18 =	spop (v2sf);
	s23 =	sadd.s32 $0x180, s22;
	s13 =	ssub.f32 $1.500000000e+00, s13  }
0x1a5: {  	(xrf2) =	vadd.scan.msk.f32 $0xffff, v33;
	s6 =	smul.f32 $7.812500000e-03, s18;
	v61 =	vld [tilespmem:s23+$0xFFFFFF90]  }
0x1a6: {  	v62 =	vld [tilespmem:s23+$0xFFFFFFA0];
	s24 =	spop (v2sf);
	s12 =	smul.f32 s13, s12  }
0x1a7: {  	v37 =	vld [tilespmem:s23+$0xFFFFFFB0];
	s15 =	smul.f32 $7.812500000e-03, s24  }
0x1a8: {  	vm14 =	veq.s32 v60, $0x0;
	v52 =	vld [tilespmem:s23+$0xFFFFFFC0];
	s11 =	smul.f32 s12, s11  }
0x1a9: {  	v51 =	vsel vm14, $0x0, v0;
	v54 =	vld [tilespmem:s23+$0xFFFFFFD0];
	s16 =	smul.f32 s6, s6  }
0x1aa: {  	v53 =	vmul.f32 v51, v53;
	v40 =	vmul.f32 v40, v51;
	v56 =	vld [tilespmem:s23+$0xFFFFFFE0];
	s11 =	smul.f32 s11, s12  }
0x1ab: {  	v63 =	vmul.f32 v63, v51;
	v49 =	vmul.f32 v49, v51;
	s13 =	ssub.f32 s15, s16  }
0x1ac: {  	v39 =	vmul.f32 v39, v51;
	v60, _, _ =	vpop (xrf2);
	v35 =	vadd.f32 v53, v61;
	v36 =	vadd.f32 v62, v40;
	s11 =	ssub.f32 $1.500000000e+00, s11  }
0x1ad: {  	v61 =	vmul.f32 v48, v51;
	v33 =	vadd.f32 v37, v63;
	(v2sf) =	vpush v60, $0xF;
	s13 =	sadd.f32 $9.999999960e-13, s13  }
0x1ae: {  	s4 =	ssub.f32 $0.0e+00, s4;
	v57 =	vld [tilespmem:s23+$0xFFFFFFF0];
	v63 =	vmul.f32 v34, v51;
	v37 =	vadd.f32 v52, v49;
	v34 =	vadd.f32 v54, v39;
	s14 =	smul.f32 s11, s12  }
0x1af: {  	v62 =	vld [tilespmem:s23+$0x0];
	v60 =	vmul.f32 v50, v51;
	v58, _, _ =	vpop (xrf2);
	v39 =	vadd.f32 v56, v61;
	v50 =	vmul.f32 v35, v35;
	s18 =	sshra.s32 s13, $0x1;
	s11 =	smul.f32 $5.000000000e-01, s13  }
0x1b0: {  	(v2sf) =	vpush v58, $0xF;
	v51 =	vmul.f32 v36, v36;
	v52 =	vmul.f32 v33, v33;
	s12 =	ssub.s32 $0x5F3759DF, s18;
	s15 =	smul.f32 s14, s4  }
0x1b1: {  	v53 =	vadd.f32 v36, v35;
	v49 =	vmul.f32 v37, v37;
	v59 =	vmul.f32 s14, v38;
	s22 =	smul.f32 s12, s11  }
0x1b2: {  	v54 =	vadd.f32 v37, v33;
	v50 =	vadd.f32 v51, v50  }
0x1b3: {  	v49 =	vadd.f32 v49, v52;
	v61 =	vadd.f32 s15, v59;
	s4 =	smul.f32 s12, s22  }
0x1b4: {  	v56 =	vmul.f32 v34, v34;
	v40 =	vadd.f32 v62, v60;
	v38 =	vadd.f32 v57, v63  }
0x1b5: {  	v55 =	vadd.f32 v39, v34;
	v53 =	vadd.f32 v54, v53;
	s13 =	sadd.s32 $0x1, s9;
	v62 =	vmul.f32 v61, v8;
	s23 =	ssub.f32 $1.500000000e+00, s4  }
0x1b6: {  	v60 =	vmul.f32 v39, v39;
	v49 =	vadd.f32 v49, v50;
	s24 =	smulhi.u32 $0x51EB851F, s13;
	v57 =	vadd.f32 v40, v38;
	s4 =	simm.s32 $0x200  }
0x1b7: {  	v61 =	vmul.f32 v38, v38;
	v48 =	vld [tilespmem:s4+$0x5900];
	v58 =	vadd.f32 v62, v16;
	v62 =	vmul.f32 v40, v40;
	s9 =	smul.f32 s12, s23  }
0x1b8: {  	v59 =	vmov s13;
	v63 =	vadd.f32 v57, v55;
	v55 =	vmul.f32 s14, v47;
	v47 =	vld [tilespmem:s4+$0x5910]  }
0x1b9: {  	v52 =	vadd.f32 v60, v56;
	v51 =	vmul.f32 s14, v46;
	s16 =	sshrl.u32 s24, $0x6;
	v46 =	vld [tilespmem:s4+$0x5920];
	v56 =	vadd.f32 v62, v61;
	s18 =	smul.f32 s9, s11  }
0x1ba: {  	v44 =	vmul.f32 s14, v44;
	v57 =	vmul.f32 s14, v45;
	v45 =	vld [tilespmem:s4+$0x5930];
	s12 =	smul.u32 $0xFFFE7000, s16;
	v53 =	vadd.f32 v63, v53  }
0x1bb: {  	v60 =	vmul.f32 s14, v43;
	v51 =	vadd.f32 s15, v51;
	v43 =	vld [tilespmem:s4+$0x5940];
	v50 =	vadd.f32 v56, v52;
	s16 =	smul.f32 s18, s9  }
0x1bc: {  	v44 =	vadd.f32 s15, v44;
	v54 =	vld [tilespmem:s4+$0x5960];
	v61 =	vadd.f32 s15, v55;
	(xrf2) =	vadd.scan.msk.f32 $0xffff, v53  }
0x1bd: {  	v51 =	vmul.f32 v51, v2;
	v63 =	vmul.f32 s14, v42;
	s22 =	spop (v2sf);
	s12 =	sshra.s32 s12, $0x2;
	v56 =	vld.idx.msk [tilespmem:v59+s8+$0x0], $0xffff;
	v49 =	vadd.f32 v50, v49;
	s16 =	ssub.f32 $1.500000000e+00, s16  }
0x1be: {  	v42 =	vld [tilespmem:s4+$0x5970];
	v62 =	vmul.f32 s14, v41;
	s14 =	smul.f32 $7.812500000e-03, s22;
	s12 =	sadd.s32 s12, s29;
	v50 =	vadd.f32 s15, v57;
	v57 =	vmul.f32 v61, v1  }
0x1bf: {  	v44 =	vmul.f32 v44, v5;
	v41 =	vld [tilespmem:s4+$0x5950];
	s23 =	spop (v2sf);
	v59 =	vadd.f32 s15, v60;
	s22 =	sadd.s32 $0x200, s12;
	v52 =	vadd.f32 s15, v63;
	s9 =	smul.f32 s16, s9;
	(xrf2) =	vadd.scan.msk.f32 $0xffff, v49  }
0x1c0: {  	v60 =	vadd.f32 s15, v62;
	v55 =	vld [tilespmem:s22+$0xFFFFFF90];
	s16 =	smul.f32 $7.812500000e-03, s23;
	v53 =	vadd.f32 v57, v9;
	v50 =	vmul.f32 v50, v3  }
0x1c1: {  	[tilespmem:s5+$0x5970] =	vst v58;
	v63 =	vadd.f32 v51, v10;
	v58 =	vld [tilespmem:s22+$0xFFFFFFB0];
	v61 =	vmul.f32 v59, v4;
	v52 =	vmul.f32 v52, v6;
	s24 =	smul.f32 s9, s11  }
0x1c2: {  	v57 =	vld [tilespmem:s22+$0xFFFFFFA0];
	vm15 =	veq.s32 v56, $0x0;
	s11 =	smul.f32 s14, s14;
	[tilespmem:s5+$0x5900] =	vst v53;
	v50 =	vadd.f32 v50, v11;
	v53 =	vmul.f32 v60, v7  }
0x1c3: {  	v59 =	vld [tilespmem:s22+$0xFFFFFFC0];
	s15 =	simm.s32 $0xA00;
	[tilespmem:s5+$0x5910] =	vst v63;
	v51 =	vadd.f32 v61, v12;
	v49 =	vadd.f32 v44, v13;
	v56 =	vsel vm15, $0x0, v0;
	s23 =	smul.f32 s24, s9  }
.LBB2_7:
0x1c4: {  	p0 =	sne.s32 s15, $0xFE00;
	v44 =	vmul.f32 v56, v48;
	v48 =	vld [tilespmem:s22+$0xFFFFFFD0];
	s11 =	ssub.f32 s16, s11;
	[tilespmem:s5+$0x5920] =	vst v50;
	v50 =	vadd.f32 v52, v14;
	v52 =	vadd.f32 v53, v15  }
0x1c5: {  	v47 =	vmul.f32 v47, v56;
	v46 =	vmul.f32 v46, v56;
	v53 =	vld [tilespmem:s22+$0xFFFFFFE0];
	s12 =	ssub.f32 $1.500000000e+00, s23;
	[tilespmem:s5+$0x5930] =	vst v51  }
0x1c6: {  	v45 =	vmul.f32 v45, v56;
	v61 =	vmul.f32 v43, v56;
	v51 =	vld [tilespmem:s22+$0xFFFFFFF0];
	v60, _, _ =	vpop (xrf2);
	s16 =	sadd.f32 $9.999999960e-13, s11;
	[tilespmem:s5+$0x5940] =	vst v49  }
0x1c7: {  	v41 =	vmul.f32 v41, v56;
	v49 =	vadd.f32 v44, v55;
	v55 =	vadd.f32 v57, v47;
	v47 =	vld [tilespmem:s22+$0x0];
	s9 =	smul.f32 s12, s9;
	s12 =	ssub.f32 $0.0e+00, s6;
	[tilespmem:s5+$0x5950] =	vst v50;
	s6 =	smov.u32 s14  }
0x1c8: {  	v44 =	vmul.f32 v54, v56;
	v50 =	vadd.f32 v58, v46;
	(v2sf) =	vpush v60, $0xF;
	s11 =	smul.f32 $5.000000000e-01, s16;
	[tilespmem:s5+$0x5960] =	vst v52;
	s5 =	smov.u32 s0;
	s0 =	smov.u32 s2  }
0x1c9: {  	v52 =	vadd.f32 v59, v45;
	s14 =	sshra.s32 s16, $0x1;
	s2 =	smov.u32 s3;
	v54 =	vadd.f32 v48, v61;
	v43, _, _ =	vpop (xrf2);
	s16 =	smul.f32 s9, s12;
	v45 =	vmul.f32 s9, v21  }
0x1ca: {  	s3 =	smov.u32 s4;
	s12 =	ssub.s32 $0x5F3759DF, s14;
	v21 =	vmovc v32;
	v32 =	vmovc v40;
	v53 =	vadd.f32 v53, v41;
	v41 =	vmul.f32 v42, v56;
	(v2sf) =	vpush v43, $0xF  }
0x1cb: {  	s4 =	smul.f32 s12, s11;
	v42 =	vmul.f32 s9, v17;
	v17 =	vmovc v26;
	v26 =	vmovc v35;
	v44 =	vadd.f32 v51, v44;
	v43 =	vadd.f32 s16, v45  }
0x1cc: {  	v46 =	vmul.f32 v55, v55;
	v35 =	vmovc v49;
	v45 =	vmul.f32 v49, v49;
	v40 =	vadd.f32 v47, v41  }
0x1cd: {  	v41 =	vmul.f32 v50, v50;
	v47 =	vadd.f32 v55, v35;
	s4 =	smul.f32 s12, s4;
	v43 =	vmul.f32 v43, v8  }
0x1ce: {  	v49 =	vmul.f32 v52, v52;
	v51 =	vadd.f32 v52, v50;
	v56 =	vadd.f32 v53, v54  }
0x1cf: {  	s13 =	sadd.s32 $0x1, s13;
	v57 =	vmul.f32 v54, v54;
	v58 =	vadd.f32 v40, v44;
	s14 =	ssub.f32 $1.500000000e+00, s4;
	v43 =	vadd.f32 v43, v16  }
0x1d0: {  	s18 =	smulhi.u32 $0x51EB851F, s13;
	v59 =	vmov s13;
	v60 =	vmul.f32 v53, v53;
	v61 =	vmul.f32 v44, v44;
	s4 =	sshra.s32 s15, $0x2  }
0x1d1: {  	v62 =	vmul.f32 v40, v40;
	v51 =	vadd.f32 v51, v47;
	v56 =	vadd.f32 v58, v56;
	s23 =	smul.f32 s12, s14;
	v48 =	vld [tilespmem:s4+$0x5900];
	[tilespmem:s5+$0x5970] =	vst v43  }
0x1d2: {  	v41 =	vadd.f32 v49, v41;
	v49 =	vmul.f32 s9, v18;
	v18 =	vmovc v24;
	v24 =	vmovc v36;
	v58 =	vadd.f32 v46, v45;
	v47 =	vld [tilespmem:s4+$0x5910]  }
0x1d3: {  	v57 =	vadd.f32 v60, v57;
	v36 =	vmovc v55;
	s12 =	sshrl.u32 s18, $0x6;
	v60 =	vadd.f32 v62, v61;
	v61 =	vmul.f32 s9, v19;
	v19 =	vmovc v29;
	s14 =	smul.f32 s23, s11;
	v46 =	vld [tilespmem:s4+$0x5920]  }
0x1d4: {  	v55 =	vmul.f32 s9, v20;
	v29 =	vmovc v33;
	v33 =	vmovc v50;
	s12 =	smul.u32 $0xFFFE7000, s12;
	v51 =	vadd.f32 v56, v51;
	v56 =	vmul.f32 s9, v22;
	v45 =	vld [tilespmem:s4+$0x5930]  }
0x1d5: {  	v20 =	vmovc v27;
	v27 =	vmovc v37;
	v62 =	vadd.f32 v41, v58;
	v50 =	vadd.f32 v60, v57;
	v57 =	vmul.f32 s9, v23;
	s14 =	smul.f32 s14, s23;
	v43 =	vld [tilespmem:s4+$0x5940]  }
0x1d6: {  	v31 =	vmul.f32 s9, v31;
	v42 =	vadd.f32 s16, v42;
	v37 =	vmovc v52;
	v49 =	vadd.f32 s16, v49;
	v58 =	vld.idx.msk [tilespmem:v59+s8+$0x0], $0xffff;
	(xrf2) =	vadd.scan.msk.f32 $0xffff, v51  }
0x1d7: {  	s9 =	sshra.s32 s12, $0x2;
	s18 =	ssub.f32 $1.500000000e+00, s14;
	s12 =	spop (v2sf)  }
0x1d8: {  	v22 =	vmovc v25;
	v25 =	vmovc v34;
	v34 =	vmov v54;
	v50 =	vadd.f32 v50, v62;
	s9 =	sadd.s32 s9, s29;
	v51 =	vadd.f32 s16, v61;
	v41 =	vld [tilespmem:s4+$0x5950];
	s14 =	smul.f32 $7.812500000e-03, s12  }
0x1d9: {  	v52 =	vmul.f32 v42, v1;
	v23 =	vmovc v28;
	v28 =	vmovc v39;
	v56 =	vadd.f32 s16, v56;
	s22 =	sadd.s32 s4, s9;
	v59 =	vadd.f32 s16, v55;
	v54 =	vld [tilespmem:s4+$0x5960];
	s9 =	smul.f32 s18, s23  }
.Ltmp2:
0x1da: {  	v49 =	vmul.f32 v49, v2;
	v60 =	vadd.f32 s16, v31;
	v42 =	vld [tilespmem:s4+$0x5970];
	(xrf2) =	vadd.scan.msk.f32 $0xffff, v50;
	s12 =	spop (v2sf);
	v50 =	vadd.f32 s16, v57;
	(pc) =	sbr.rel @p0 .LBB2_7-.Ltmp2, $4  }
0x1db: {  	v39 =	vmovc v53;
	v61 =	vadd.f32 v52, v9;
	v51 =	vmul.f32 v51, v3;
	v62 =	vmul.f32 v59, v4;
	v55 =	vld [tilespmem:s22+$0xFFFFFF90];
	s16 =	smul.f32 $7.812500000e-03, s12  }
0x1dc: {  	v31 =	vmovc v30;
	v49 =	vadd.f32 v49, v10;
	v63 =	vmul.f32 v56, v5;
	s12 =	smul.f32 s9, s11;
	v57 =	vld [tilespmem:s22+$0xFFFFFFA0];
	v52 =	vmul.f32 v50, v6  }
0x1dd: {  	v30 =	vmovc v38;
	v53 =	vmul.f32 v60, v7;
	s11 =	smul.f32 s14, s14;
	vm0 =	veq.s32 v58, $0x0;
	v50 =	vadd.f32 v51, v11;
	v58 =	vld [tilespmem:s22+$0xFFFFFFB0];
	[tilespmem:s5+$0x5900] =	vst v61  }
0x1de: {  	s15 =	sadd.s32 $0x200, s15;
	v38 =	vmovc v44;
	v51 =	vadd.f32 v62, v12;
	v56 =	vsel vm0, $0x0, v0;
	s23 =	smul.f32 s12, s9;
	v59 =	vld [tilespmem:s22+$0xFFFFFFC0];
	[tilespmem:s5+$0x5910] =	vst v49;
	v49 =	vadd.f32 v63, v13  }
0x1df: {  	v44 =	vld [tilespmem:s22+$0xFFFFFFD0]  }
0x1e0: {  	v60 =	vld [tilespmem:s22+$0xFFFFFFE0]  }
0x1e1: {  	v48 =	vmul.f32 v56, v48;
	v61 =	vmul.f32 v47, v56;
	v62 =	vld [tilespmem:s22+$0xFFFFFFF0]  }
0x1e2: {  	v63 =	vmul.f32 v46, v56;
	v45 =	vmul.f32 v45, v56;
	v46 =	vld [tilespmem:s22+$0x0]  }
0x1e3: {  	v43 =	vmul.f32 v43, v56;
	v41 =	vmul.f32 v41, v56;
	v47 =	vadd.f32 v48, v55  }
0x1e4: {  	v57 =	vadd.f32 v57, v61;
	v61 =	vmul.f32 v54, v56;
	v55 =	vadd.f32 v58, v63  }
0x1e5: {  	v63 =	vmul.f32 v42, v56;
	v45 =	vadd.f32 v59, v45;
	v54 =	vmul.f32 v47, v47  }
0x1e6: {  	v56 =	vmul.f32 v57, v57;
	v44 =	vadd.f32 v44, v43;
	v42 =	vadd.f32 v60, v41  }
0x1e7: {  	v41 =	vadd.f32 v62, v61;
	v48 =	vadd.f32 v46, v63;
	v43 =	vmul.f32 v55, v55  }
0x1e8: {  	v46 =	vadd.f32 v57, v47;
	v58 =	vmul.f32 v45, v45;
	v59 =	vadd.f32 v45, v55  }
0x1e9: {  	v54 =	vadd.f32 v56, v54;
	v61 =	vmul.f32 v44, v44;
	v62 =	vmul.f32 v42, v42  }
0x1ea: {  	v60 =	vadd.f32 v42, v44;
	v63 =	vmul.f32 v41, v41;
	v56 =	vmul.f32 v48, v48  }
0x1eb: {  	v43 =	vadd.f32 v58, v43;
	v58 =	vadd.f32 v48, v41  }
0x1ec: {  	v61 =	vadd.f32 v62, v61;
	v56 =	vadd.f32 v56, v63  }
0x1ed: {  	v46 =	vadd.f32 v59, v46;
	v58 =	vadd.f32 v58, v60  }
0x1ee: {  	v43 =	vadd.f32 v43, v54;
	v60, _, _ =	vpop (xrf2);
	v62 =	vadd.f32 v56, v61  }
0x1ef: {  	(v2sf) =	vpush v60, $0xF;
	v63, _, _ =	vpop (xrf2);
	v46 =	vadd.f32 v58, v46  }
0x1f0: {  	s11 =	ssub.f32 s16, s11;
	(v2sf) =	vpush v63, $0xF;
	v43 =	vadd.f32 v62, v43  }
0x1f1: {  	(xrf2) =	vadd.scan.msk.f32 $0xffff, v46  }
0x1f2: {  	s11 =	sadd.f32 $9.999999960e-13, s11;
	(xrf2) =	vadd.scan.msk.f32 $0xffff, v43;
	_ =	sdelay $0x1  }
0x1f3: {  	s12 =	smul.f32 $5.000000000e-01, s11;
	s11 =	sshra.s32 s11, $0x1  }
0x1f4: {  	s11 =	ssub.s32 $0x5F3759DF, s11  }
0x1f5: {  	s13 =	smul.f32 s11, s12;
	_ =	sdelay $0x1  }
0x1f6: {  	s13 =	smul.f32 s11, s13;
	_ =	sdelay $0x1  }
0x1f7: {  	s13 =	ssub.f32 $1.500000000e+00, s13  }
0x1f8: {  	s23 =	ssub.f32 $1.500000000e+00, s23;
	v60, _, _ =	vpop (xrf2)  }
0x1f9: {  	s13 =	smul.f32 s11, s13;
	(v2sf) =	vpush v60, $0xF;
	v61, _, _ =	vpop (xrf2)  }
0x1fa: {  	s16 =	smul.f32 s23, s9;
	(v2sf) =	vpush v61, $0xF  }
0x1fb: {  	s24 =	smul.f32 s13, s12;
	s15 =	spop (v2sf)  }
0x1fc: {  	s18 =	spop (v2sf);
	s11 =	smul.f32 $7.812500000e-03, s15  }
0x1fd: {  	s22 =	smul.f32 $7.812500000e-03, s18  }
0x1fe: {  	s18 =	smul.f32 s11, s11  }
0x1ff: {  	s23 =	smul.f32 s24, s13  }
0x200: {  	s18 =	ssub.f32 s22, s18  }
0x201: {  	s24 =	ssub.f32 $1.500000000e+00, s23  }
0x202: {  	s9 =	sadd.f32 $9.999999960e-13, s18  }
0x203: {  	s13 =	smul.f32 s24, s13  }
0x204: {  	s15 =	smul.f32 $5.000000000e-01, s9;
	s9 =	sshra.s32 s9, $0x1  }
0x205: {  	s6 =	ssub.f32 $0.0e+00, s6;
	s12 =	smul.f32 s13, s12;
	s9 =	ssub.s32 $0x5F3759DF, s9  }
0x206: {  	s22 =	smul.f32 s9, s15  }
0x207: {  	s18 =	smul.f32 s16, s6  }
0x208: {  	s22 =	smul.f32 s9, s22;
	s23 =	spop (v2sf)  }
0x209: {  	s6 =	smul.f32 $7.812500000e-03, s23;
	s24 =	spop (v2sf)  }
0x20a: {  	s22 =	ssub.f32 $1.500000000e+00, s22;
	s23 =	smul.f32 $7.812500000e-03, s24  }
0x20b: {  	v21 =	vmul.f32 s16, v21;
	v17 =	vmul.f32 s16, v17;
	s24 =	smul.f32 s6, s6  }
0x20c: {  	v18 =	vmul.f32 s16, v18;
	v19 =	vmul.f32 s16, v19;
	s22 =	smul.f32 s9, s22  }
0x20d: {  	v20 =	vmul.f32 s16, v20;
	v62 =	vadd.f32 v52, v14;
	v63 =	vadd.f32 v53, v15;
	s9 =	smul.f32 s12, s13;
	s24 =	ssub.f32 s23, s24  }
0x20e: {  	v22 =	vmul.f32 s16, v22;
	v21 =	vadd.f32 s18, v21;
	v17 =	vadd.f32 s18, v17;
	s23 =	smul.f32 s22, s15  }
0x20f: {  	v23 =	vmul.f32 s16, v23;
	v18 =	vadd.f32 s18, v18;
	v19 =	vadd.f32 s18, v19;
	s12 =	sadd.f32 $9.999999960e-13, s24  }
0x210: {  	v31 =	vmul.f32 s16, v31;
	v20 =	vadd.f32 s18, v20;
	v22 =	vadd.f32 s18, v22;
	s24 =	ssub.f32 $1.500000000e+00, s9;
	s23 =	smul.f32 s23, s22  }
0x211: {  	v23 =	vadd.f32 s18, v23;
	v21 =	vmul.f32 v21, v8;
	v17 =	vmul.f32 v17, v1;
	s9 =	smul.f32 $5.000000000e-01, s12;
	s12 =	sshra.s32 s12, $0x1  }
0x212: {  	v31 =	vadd.f32 s18, v31;
	v18 =	vmul.f32 v18, v2;
	v19 =	vmul.f32 v19, v3;
	s13 =	smul.f32 s24, s13;
	s12 =	ssub.s32 $0x5F3759DF, s12  }
0x213: {  	v20 =	vmul.f32 v20, v4;
	v22 =	vmul.f32 v22, v5;
	v21 =	vadd.f32 v21, v16;
	s24 =	smul.f32 s12, s9  }
0x214: {  	v23 =	vmul.f32 v23, v6;
	v17 =	vadd.f32 v17, v9;
	v18 =	vadd.f32 v18, v10;
	s23 =	ssub.f32 $1.500000000e+00, s23  }
0x215: {  	s14 =	ssub.f32 $0.0e+00, s14;
	v31 =	vmul.f32 v31, v7;
	v19 =	vadd.f32 v19, v11;
	v20 =	vadd.f32 v20, v12;
	s24 =	smul.f32 s12, s24  }
0x216: {  	[tilespmem:s5+$0x5920] =	vst v50;
	v22 =	vadd.f32 v22, v13;
	v32 =	vmul.f32 s13, v32;
	v26 =	vmul.f32 s13, v26;
	s16 =	smul.f32 s23, s22  }
0x217: {  	[tilespmem:s5+$0x5930] =	vst v51;
	v23 =	vadd.f32 v23, v14;
	s14 =	smul.f32 s13, s14;
	v24 =	vmul.f32 s13, v24;
	v29 =	vmul.f32 s13, v29;
	s18 =	ssub.f32 $1.500000000e+00, s24  }
0x218: {  	[tilespmem:s5+$0x5940] =	vst v49;
	v31 =	vadd.f32 v31, v15;
	v27 =	vmul.f32 s13, v27;
	v25 =	vmul.f32 s13, v25;
	s15 =	smul.f32 s16, s15  }
0x219: {  	[tilespmem:s5+$0x5950] =	vst v62;
	v28 =	vmul.f32 s13, v28;
	v32 =	vadd.f32 s14, v32;
	v26 =	vadd.f32 s14, v26;
	s12 =	smul.f32 s12, s18  }
0x21a: {  	[tilespmem:s5+$0x5960] =	vst v63;
	v30 =	vmul.f32 s13, v30;
	v24 =	vadd.f32 s14, v24;
	v29 =	vadd.f32 s14, v29;
	s15 =	smul.f32 s15, s16  }
0x21b: {  	[tilespmem:s0+$0x5900] =	vst v17;
	v17 =	vadd.f32 s14, v27;
	v25 =	vadd.f32 s14, v25;
	v32 =	vmul.f32 v32, v8;
	s18 =	smul.f32 s12, s9  }
0x21c: {  	[tilespmem:s0+$0x5910] =	vst v18;
	v18 =	vadd.f32 s14, v28;
	v26 =	vmul.f32 v26, v1;
	v24 =	vmul.f32 v24, v2;
	s15 =	ssub.f32 $1.500000000e+00, s15  }
0x21d: {  	[tilespmem:s0+$0x5970] =	vst v21;
	v50 =	vadd.f32 s14, v30;
	v52 =	vmul.f32 v29, v3;
	v17 =	vmul.f32 v17, v4;
	s18 =	smul.f32 s18, s12  }
0x21e: {  	s11 =	ssub.f32 $0.0e+00, s11;
	[tilespmem:s0+$0x5920] =	vst v19;
	v54 =	vmul.f32 v25, v5;
	v49 =	vadd.f32 v32, v16;
	v19 =	vadd.f32 v26, v9;
	s22 =	smul.f32 s15, s16  }
0x21f: {  	[tilespmem:s0+$0x5930] =	vst v20;
	v18 =	vmul.f32 v18, v6;
	v53 =	vadd.f32 v24, v10;
	v58 =	vadd.f32 v52, v11;
	s5 =	ssub.f32 $1.500000000e+00, s18  }
0x220: {  	[tilespmem:s0+$0x5940] =	vst v22;
	v59 =	vmul.f32 v50, v7;
	v17 =	vadd.f32 v17, v12;
	v60 =	vadd.f32 v54, v13;
	s11 =	smul.f32 s22, s11  }
0x221: {  	[tilespmem:s0+$0x5950] =	vst v23;
	v18 =	vadd.f32 v18, v14;
	v51 =	vmul.f32 s22, v40;
	v63 =	vmul.f32 s22, v35;
	s5 =	smul.f32 s5, s12  }
0x222: {  	[tilespmem:s0+$0x5960] =	vst v31;
	v62 =	vadd.f32 v59, v15;
	v35 =	vmul.f32 s22, v36;
	v36 =	vmul.f32 s22, v33  }
0x223: {  	[tilespmem:s2+$0x5900] =	vst v19;
	v19 =	vmul.f32 s22, v37;
	v40 =	vmul.f32 s22, v34;
	v56 =	vadd.f32 s11, v51;
	s9 =	smul.f32 s5, s9  }
0x224: {  	[tilespmem:s2+$0x5970] =	vst v49;
	v43 =	vmul.f32 s22, v39;
	v26 =	vadd.f32 s11, v63;
	v24 =	vadd.f32 s11, v35  }
0x225: {  	[tilespmem:s2+$0x5910] =	vst v53;
	v46 =	vmul.f32 s22, v38;
	v49 =	vadd.f32 s11, v36;
	v19 =	vadd.f32 s11, v19;
	s23 =	smul.f32 s9, s5  }
0x226: {  	[tilespmem:s2+$0x5930] =	vst v17;
	v17 =	vadd.f32 s11, v40;
	v61 =	vmul.f32 v56, v8;
	v26 =	vmul.f32 v26, v1  }
0x227: {  	[tilespmem:s2+$0x5950] =	vst v18;
	v20 =	vadd.f32 s11, v43;
	v24 =	vmul.f32 v24, v2;
	v18 =	vmul.f32 v49, v3;
	s0 =	ssub.f32 $1.500000000e+00, s23  }
0x228: {  	[tilespmem:s2+$0x5920] =	vst v58;
	v50 =	vadd.f32 s11, v46;
	v19 =	vmul.f32 v19, v4;
	v17 =	vmul.f32 v17, v5  }
0x229: {  	s24 =	ssub.f32 $0.0e+00, s6;
	[tilespmem:s2+$0x5940] =	vst v60;
	v20 =	vmul.f32 v20, v6;
	v32 =	vadd.f32 v61, v16;
	v26 =	vadd.f32 v26, v9;
	s0 =	smul.f32 s0, s5  }
0x22a: {  	[tilespmem:s2+$0x5960] =	vst v62;
	v54 =	vmul.f32 v50, v7;
	v52 =	vadd.f32 v24, v10;
	v18 =	vadd.f32 v18, v11  }
0x22b: {  	v19 =	vadd.f32 v19, v12;
	v17 =	vadd.f32 v17, v13;
	[tilespmem:s3+$0x5970] =	vst v32;
	s5 =	smul.f32 s0, s24;
	v51 =	vmul.f32 s0, v48  }
0x22c: {  	v20 =	vadd.f32 v20, v14;
	v21 =	vadd.f32 v54, v15;
	[tilespmem:s3+$0x5900] =	vst v26;
	v56 =	vmul.f32 s0, v47  }
0x22d: {  	[tilespmem:s3+$0x5910] =	vst v52;
	v57 =	vmul.f32 s0, v57;
	v59 =	vmul.f32 s0, v44;
	v53 =	vadd.f32 s5, v51  }
0x22e: {  	[tilespmem:s3+$0x5930] =	vst v19;
	v58 =	vmul.f32 s0, v55;
	v19 =	vmul.f32 s0, v45;
	v23 =	vadd.f32 s5, v56  }
0x22f: {  	[tilespmem:s3+$0x5940] =	vst v17;
	v17 =	vmul.f32 s0, v42;
	v61 =	vadd.f32 s5, v59;
	v24 =	vmul.f32 v53, v8  }
0x230: {  	[tilespmem:s3+$0x5920] =	vst v18;
	v60 =	vmul.f32 s0, v41;
	v22 =	vadd.f32 s5, v57;
	v23 =	vmul.f32 v23, v1  }
0x231: {  	[tilespmem:s3+$0x5960] =	vst v21;
	v17 =	vadd.f32 s5, v17;
	v21 =	vmul.f32 v61, v5;
	v18 =	vadd.f32 v24, v16  }
0x232: {  	[tilespmem:s3+$0x5950] =	vst v20;
	v19 =	vadd.f32 s5, v19;
	v22 =	vmul.f32 v22, v2;
	v23 =	vadd.f32 v23, v9  }
0x233: {  	v17 =	vmul.f32 v17, v6;
	v24 =	vadd.f32 s5, v58;
	v63 =	vadd.f32 v21, v13;
	[tilespmem:s4+$0x5970] =	vst v18  }
0x234: {  	v20 =	vadd.f32 s5, v60;
	v18 =	vmul.f32 v19, v4;
	v19 =	vadd.f32 v22, v10;
	[tilespmem:s4+$0x5900] =	vst v23  }
0x235: {  	s30 =	sadd.s32 $0x1, s30;
	v17 =	vadd.f32 v17, v14;
	v24 =	vmul.f32 v24, v3;
	[tilespmem:s4+$0x5940] =	vst v63  }
0x236: {  	p0 =	sne.s32 s30, $0x19;
	[tilespmem:s4+$0x5910] =	vst v19;
	v18 =	vadd.f32 v18, v12;
	v19 =	vmul.f32 v20, v7  }
.Ltmp3:
0x237: {  	s31 =	sshll.u32 s31, $0xE;
	[tilespmem:s4+$0x5950] =	vst v17;
	v62 =	vadd.f32 v24, v11;
	(pc) =	sbr.rel @p0 .LBB2_4-.Ltmp3, $4  }
0x238: {  	s0 =	sadd.s32 s10, s31;
	[tilespmem:s4+$0x5930] =	vst v18;
	v18 =	vadd.f32 v19, v15  }
0x239: {  	s28 =	sadd.s32 $0x8000, s28;
	s26 =	sadd.s32 $0x100, s26;
	s0 =	sshrl.u32 s0, $0x3;
	[tilespmem:s4+$0x5920] =	vst v62  }
0x23a: {  	s25 =	sadd.s32 $0x100, s25;
	s29 =	sadd.s32 $0x8000, s29;
	s0 =	sadd.s32 s7, s0;
	[tilespmem:s4+$0x5960] =	vst v18  }
0x23b: {  	[hbm4b:s0+s8] =	stream.linear.scatter [tilespmem:s19], [sflag:$0x4], $0x4000, $0x38;
	[tilespmem:$0xFE80] =	vst v63  }
0x23c: {  	s0 =	simm.s32 $0x3  }
0x23d: {  	_ =	swait.ge [sflag:s0], $0x4000  }
0x23e: {  	[sflag:s0] =	ssyncset.done $0x0  }
0x23f: {  	s2 =	simm.s32 $0x4;
	[sflag:s0] =	ssyncadd.s32 $0xFFFFC000  }
0x240: {  	_ =	swait.ge [sflag:s2], $0x4000  }
0x241: {  	s3 =	rddreg [dreg:$0xa]  }
0x242: {  	s31 =	rddreg [dreg:$0x9];
	s3 =	sadd.s32 $0x1, s3  }
0x243: {  	p0 =	sne.s32 s3, s31  }
.Ltmp4:
0x244: {  	_ = 	snop;
	(pc) =	sbr.rel @p0 .LBB2_1-.Ltmp4, $3  }
0x245: {  	_ =	sdelay $0x1  }
0x246: {  	[sflag:s2] =	ssyncset.done $0x0  }
0x247: {  	[sflag:s2] =	ssyncadd.s32 $0xFFFFC000  }
0x248: {  	_ =	sfence.sel $0x180000  }
0x249: {  	[bflag:$0x0] =	sbarrier.arrive $0xFFFF  }
0x24a: {  	_ =	strace $0x90000047  }
0x24b: {  	s0 =	stileid.u32;
	[bflag:$0x2] =	sbarrier.arrive $0xFFFF  }
0x24c: {  	p0 =	sne.s32 s0, $0x0;
	s0 =	rddreg [dreg:$0x7]  }
0x24d: {  	s0 =	sadd.s32 @!p0 $0x100000, s0  }
0x24e: {  	[sflag:s0] =	ssyncadd.tile.s32 @!p0 $0x1;
	_ =	shalt  }
.Lfunc_end2:
_tile_overlayer_lowered:
.L_overlay_start_2:
0x24f: {  	(tag) =	ssettag $0x2  }
0x250: {  	s0 =	rddreg [dreg:$0x0];
	s2 =	stileid.u32  }
0x251: {  	s1 =	rddreg [dreg:$0x1];
	p0 =	sne.s32 s2, $0x0  }
0x252: {  	s3 =	rddreg [dreg:$0x2];
	[bflag:$0x3] =	sbarrier.arrive $0xFFFF;
	s2 =	simm.s32 @!p0 $0x1C05  }
0x253: {  	[timem:s3], [sflag:s2] =	dma.local @!p0 [hbm:s0], s1  }
0x254: {  	s0 =	simm.s32 @!p0 $0x5  }
0x255: {  	_ =	swait.ge @!p0 [sflag:s0], s1  }
0x256: {  	s1 =	ssub.s32 @!p0 $0x0, s1;
	[sflag:s0] =	ssyncset.done @!p0 $0x0  }
0x257: {  	[sflag:s0] =	ssyncadd.s32 @!p0 s1  }
0x258: {  	[bflag:$0x3] =	sbarrier.arrive $0xFFFF  }
0x259: {  	_ =	shalt  }

</sc_bundles>
